<compile_context>
chip_gen: v7x
topology: tpu7x:2x2x1
jax: 0.10.2.dev20260603
libtpu: 0.0.44.dev20260713+nightly
codegen_flags: <defaults>
</compile_context>

<pallas_src>
import jax
import jax.numpy as jnp
from jax import lax
from jax.experimental import pallas as pl
from jax.experimental.pallas import tpu as pltpu
from jax.experimental.pallas import tpu_sc as plsc

B = 16
NTAB = 3
H = 224
W = 224
D = 16
CH = 4
NCHUNK = H // CH
N = CH * W
NWORKERS = 32
ITEMS_TAB = B * NCHUNK
ITEMS_PER_W = ITEMS_TAB // NWORKERS
NGRP = N // 128

HW = H * W
TBLK = 25088
NBLK = HW // TBLK


def _gather_body(
    data_ref, ta_ref, tw_ref, tn_ref, out_ref, idx_v, rows_v, si, sw, sg
):
    nc = 2
    wid = lax.axis_index("s") * nc + lax.axis_index("c")

    def bc(t):
        q = wid * ITEMS_PER_W + t
        b = q // NCHUNK
        return b, q - b * NCHUNK

    for tab, table_ref in enumerate((ta_ref, tw_ref, tn_ref)):
        b0, c0 = bc(0)
        pltpu.async_copy(data_ref.at[b0, tab, c0], idx_v.at[0], si)

        def item_body(t, carry, tab=tab, table_ref=table_ref):
            p = lax.rem(t, 2)
            b, c = bc(t)

            pltpu.make_async_copy(data_ref.at[b, tab, c], idx_v.at[p], si).wait()

            @pl.when(t + 1 < ITEMS_PER_W)
            def _():
                bn, cn = bc(t + 1)
                pltpu.async_copy(data_ref.at[bn, tab, cn], idx_v.at[1 - p], si)

            @pl.when(t >= 2)
            def _():
                bo, co = bc(t - 2)
                pltpu.make_async_copy(
                    rows_v.at[p], out_ref.at[bo, tab, co], sw
                ).wait()

            pltpu.async_copy(
                table_ref.at[idx_v.at[p]], rows_v.at[p], sg
            ).wait()

            pltpu.async_copy(rows_v.at[p], out_ref.at[b, tab, c], sw)
            return carry

        lax.fori_loop(0, ITEMS_PER_W, item_body, 0)

        for t in (ITEMS_PER_W - 2, ITEMS_PER_W - 1):
            p = t % 2
            bt, ct = bc(t)
            pltpu.make_async_copy(rows_v.at[p], out_ref.at[bt, tab, ct], sw).wait()


def _transpose_body(x_ref, o_ref):
    x = x_ref[0]
    o_ref[0] = x.T


def kernel(data, W_areas, W_ways, W_nodes):
    data_r = data.astype(jnp.int32).reshape(B, NTAB, NCHUNK, N)

    mesh = plsc.VectorSubcoreMesh(core_axis_name="c", subcore_axis_name="s")
    gather = pl.kernel(
        _gather_body,
        out_type=jax.ShapeDtypeStruct((B, NTAB, NCHUNK, N, D), jnp.float32),
        mesh=mesh,
        compiler_params=pltpu.CompilerParams(use_tc_tiling_on_sc=False),
        scratch_types=[
            pltpu.VMEM((2, N), jnp.int32),
            pltpu.VMEM((2, N, D), jnp.float32),
            pltpu.SemaphoreType.DMA,
            pltpu.SemaphoreType.DMA,
            pltpu.SemaphoreType.DMA,
        ],
    )
    nat = gather(data_r, W_areas, W_ways, W_nodes)

    nat3 = nat.reshape(B * NTAB, HW, D)
    out3 = pl.pallas_call(
        _transpose_body,
        grid=(B * NTAB, NBLK),
        in_specs=[pl.BlockSpec((1, TBLK, D), lambda j, k: (j, k, 0))],
        out_specs=pl.BlockSpec((1, D, TBLK), lambda j, k: (j, 0, k)),
        out_shape=jax.ShapeDtypeStruct((B * NTAB, D, HW), jnp.float32),
    )(nat3)
    return out3.reshape(B, NTAB * D, H, W)

# --- scband reference (transcript-rebuilt; emitter-appended) ---
"""Pipeline reference for scband-map-encoder-14422500180256 (READ-ONLY COPY).

The authoritative reference and input builder live on the scoring server;
editing this copy changes nothing except your own understanding.
"""

import jax, jax.numpy as jnp
import numpy as np

EMBED_DIM = 16
NUM_CLASSES = {"areas": 100000, "ways": 100000, "nodes": 100000}

def setup_inputs(seed: int = 0) -> dict:
    key = jax.random.key(seed)
    k_data, k_a, k_w, k_n = jax.random.split(key, 4)
    data = jax.random.randint(k_data, (16, 3, 224, 224), 0, 100000, dtype=jnp.int64) if jax.config.jax_enable_x64 else jax.random.randint(k_data, (16, 3, 224, 224), 0, 100000, dtype=jnp.int32)
    W_areas = jax.random.normal(k_a, (NUM_CLASSES["areas"] + 1, EMBED_DIM), dtype=jnp.float32)
    W_ways = jax.random.normal(k_w, (NUM_CLASSES["ways"] + 1, EMBED_DIM), dtype=jnp.float32)
    W_nodes = jax.random.normal(k_n, (NUM_CLASSES["nodes"] + 1, EMBED_DIM), dtype=jnp.float32)
    return {"data": data, "W_areas": W_areas, "W_ways": W_ways, "W_nodes": W_nodes}

def reference(data, W_areas, W_ways, W_nodes):
    # Per-key embedding lookup over the spatial raster, one channel per key.
    tables = (W_areas, W_ways, W_nodes)
    embeddings = [jnp.take(tables[i], data[:, i], axis=0) for i in range(3)]  # each [B, H, W, D]
    embeddings = jnp.concatenate(embeddings, axis=-1)  # [B, H, W, 3*D]
    return jnp.transpose(embeddings, (0, 3, 1, 2))  # [B, 3*D, H, W]

if __name__ == "__main__":
    import jax
    _d = setup_inputs()
    print(jax.jit(kernel)(*tuple(_d.values())))

</pallas_src>

<mosaic_0001>
#map = affine_map<(d0, d1) -> (0, 0, 0, 0)>
#map1 = affine_map<(d0, d1) -> (0, 0)>
#map2 = affine_map<(d0, d1) -> (0, 0, 0, 0, 0)>
module attributes {stable_mosaic.version = 14 : i64} {
  func.func @_gather_body(%arg0: i32, %arg1: i32, %arg2: memref<16x3x56x896xi32, #tpu.memory_space<hbm>>, %arg3: memref<100001x16xf32, #tpu.memory_space<hbm>>, %arg4: memref<100001x16xf32, #tpu.memory_space<hbm>>, %arg5: memref<100001x16xf32, #tpu.memory_space<hbm>>, %arg6: memref<16x3x56x896x16xf32, #tpu.memory_space<hbm>>, %arg7: memref<2x896xi32, #tpu.memory_space<vmem>>, %arg8: memref<2x896x16xf32, #tpu.memory_space<vmem>>, %arg9: memref<!tpu.dma_semaphore, #tpu.memory_space<semaphore_mem>>, %arg10: memref<!tpu.dma_semaphore, #tpu.memory_space<semaphore_mem>>, %arg11: memref<!tpu.dma_semaphore, #tpu.memory_space<semaphore_mem>>) attributes {dimension_semantics = [#tpu.dimension_semantics<core_parallel>, #tpu.dimension_semantics<subcore_parallel>], iteration_bounds = array<i64: 2, 16>, scalar_prefetch = 0 : i64, scratch_operands = 5 : i64, tpu.core_type = #tpu.core_type<sc_vector_subcore>, window_params = [{transform_indices = #map}, {transform_indices = #map1}, {transform_indices = #map1}, {transform_indices = #map1}, {transform_indices = #map2}]} {
    %mul3A = arith.constant 2 : i32
    %mul3A_0 = arith.muli %arg1, %mul3A : i32
    %add3A = arith.addi %mul3A_0, %arg0 : i32
    %mul3A_1 = arith.constant 28 : i32
    %mul3A_2 = arith.muli %add3A, %mul3A_1 : i32
    %add3A_3 = arith.constant 0 : i32
    %add3A_4 = arith.addi %mul3A_2, %add3A_3 : i32
    %jit3A = arith.constant 56 : i32
    %div3A = arith.divsi %add3A_4, %jit3A : i32
    %sign3A = arith.constant 0 : i32
    %sign3A_5 = arith.cmpi sgt, %add3A_4, %sign3A : i32
    %sign3A_6 = arith.extui %sign3A_5 : i1 to i32
    %sign3A_7 = arith.constant 0 : i32
    %sign3A_8 = arith.cmpi slt, %add3A_4, %sign3A_7 : i32
    %sign3A_9 = arith.extui %sign3A_8 : i1 to i32
    %sign3A_10 = arith.subi %sign3A_6, %sign3A_9 : i32
    %sign3A_11 = arith.constant 0 : i32
    %sign3A_12 = arith.cmpi sgt, %jit3A, %sign3A_11 : i32
    %sign3A_13 = arith.extui %sign3A_12 : i1 to i32
    %sign3A_14 = arith.constant 0 : i32
    %sign3A_15 = arith.cmpi slt, %jit3A, %sign3A_14 : i32
    %sign3A_16 = arith.extui %sign3A_15 : i1 to i32
    %sign3A_17 = arith.subi %sign3A_13, %sign3A_16 : i32
    %ne3A = arith.cmpi ne, %sign3A_10, %sign3A_17 : i32
    %rem3A = arith.remsi %add3A_4, %jit3A : i32
    %ne3A_18 = arith.constant 0 : i32
    %ne3A_19 = arith.cmpi ne, %rem3A, %ne3A_18 : i32
    %and3A = arith.andi %ne3A, %ne3A_19 : i1
    %sub3A = arith.constant 1 : i32
    %sub3A_20 = arith.subi %div3A, %sub3A : i32
    %select_n3A = arith.select %and3A, %sub3A_20, %div3A : i32
    %mul3A_21 = arith.constant 56 : i32
    %mul3A_22 = arith.muli %select_n3A, %mul3A_21 : i32
    %sub3A_23 = arith.subi %add3A_4, %mul3A_22 : i32
    %dma_start3A = arith.constant 0 : i32
    %dma_start3A_24 = arith.constant 0 : i32
    %dma_start3A_25 = arith.constant 0 : i32
    %dma_start3A_26 = tpu.memref_slice %arg7[%dma_start3A_24, %dma_start3A_25] : memref<2x896xi32, #tpu.memory_space<vmem>> -> memref<1x896xi32, #tpu.memory_space<vmem>>
    %dma_start3A_27 = tpu.memref_squeeze %dma_start3A_26 : memref<1x896xi32, #tpu.memory_space<vmem>> -> memref<896xi32, #tpu.memory_space<vmem>>
    %dma_start3A_28 = arith.constant 0 : i32
    %dma_start3A_29 = tpu.memref_slice %arg2[%select_n3A, %dma_start3A, %sub3A_23, %dma_start3A_28] : memref<16x3x56x896xi32, #tpu.memory_space<hbm>> -> memref<1x1x1x896xi32, #tpu.memory_space<hbm>>
    %dma_start3A_30 = tpu.memref_squeeze %dma_start3A_29 : memref<1x1x1x896xi32, #tpu.memory_space<hbm>> -> memref<896xi32, #tpu.memory_space<hbm>>
    %dma_start3A_31 = arith.constant 0 : i32
    %dma_start3A_32 = tpu.memref_slice %arg7[%dma_start3A_24, %dma_start3A_31] : memref<2x896xi32, #tpu.memory_space<vmem>> -> memref<1x896xi32, #tpu.memory_space<vmem>>
    %dma_start3A_33 = tpu.memref_squeeze %dma_start3A_32 : memref<1x896xi32, #tpu.memory_space<vmem>> -> memref<896xi32, #tpu.memory_space<vmem>>
    %dma_start3A_34 = arith.constant 0 : i32
    %dma_start3A_35 = tpu.memref_slice %arg2[%select_n3A, %dma_start3A, %sub3A_23, %dma_start3A_34] : memref<16x3x56x896xi32, #tpu.memory_space<hbm>> -> memref<1x1x1x896xi32, #tpu.memory_space<hbm>>
    %dma_start3A_36 = tpu.memref_squeeze %dma_start3A_35 : memref<1x1x1x896xi32, #tpu.memory_space<hbm>> -> memref<896xi32, #tpu.memory_space<hbm>>
    tpu.enqueue_dma source(%dma_start3A_36 : memref<896xi32, #tpu.memory_space<hbm>>) target(%dma_start3A_33 : memref<896xi32, #tpu.memory_space<vmem>>) target_semaphore(%arg9 : memref<!tpu.dma_semaphore, #tpu.memory_space<semaphore_mem>>)
    %scan3A = arith.constant 0 : i32
    %scan3A_37 = arith.constant 0 : i32
    %scan3A_38 = arith.constant 28 : i32
    %scan3A_39 = arith.addi %scan3A_37, %scan3A_38 : i32
    %scan3A_40 = arith.constant 1 : i32
    scf.for %scan3A_437 = %scan3A_37 to %scan3A_39 step %scan3A_40  : i32 {
      %rem3A_438 = arith.constant 2 : i32
      %rem3A_439 = arith.remsi %scan3A_437, %rem3A_438 : i32
      %mul3A_440 = arith.constant 28 : i32
      %mul3A_441 = arith.muli %add3A, %mul3A_440 : i32
      %add3A_442 = arith.addi %mul3A_441, %scan3A_437 : i32
      %jit3A_443 = arith.constant 56 : i32
      %div3A_444 = arith.divsi %add3A_442, %jit3A_443 : i32
      %sign3A_445 = arith.constant 0 : i32
      %sign3A_446 = arith.cmpi sgt, %add3A_442, %sign3A_445 : i32
      %sign3A_447 = arith.extui %sign3A_446 : i1 to i32
      %sign3A_448 = arith.constant 0 : i32
      %sign3A_449 = arith.cmpi slt, %add3A_442, %sign3A_448 : i32
      %sign3A_450 = arith.extui %sign3A_449 : i1 to i32
      %sign3A_451 = arith.subi %sign3A_447, %sign3A_450 : i32
      %sign3A_452 = arith.constant 0 : i32
      %sign3A_453 = arith.cmpi sgt, %jit3A_443, %sign3A_452 : i32
      %sign3A_454 = arith.extui %sign3A_453 : i1 to i32
      %sign3A_455 = arith.constant 0 : i32
      %sign3A_456 = arith.cmpi slt, %jit3A_443, %sign3A_455 : i32
      %sign3A_457 = arith.extui %sign3A_456 : i1 to i32
      %sign3A_458 = arith.subi %sign3A_454, %sign3A_457 : i32
      %ne3A_459 = arith.cmpi ne, %sign3A_451, %sign3A_458 : i32
      %rem3A_460 = arith.remsi %add3A_442, %jit3A_443 : i32
      %ne3A_461 = arith.constant 0 : i32
      %ne3A_462 = arith.cmpi ne, %rem3A_460, %ne3A_461 : i32
      %and3A_463 = arith.andi %ne3A_459, %ne3A_462 : i1
      %sub3A_464 = arith.constant 1 : i32
      %sub3A_465 = arith.subi %div3A_444, %sub3A_464 : i32
      %select_n3A_466 = arith.select %and3A_463, %sub3A_465, %div3A_444 : i32
      %mul3A_467 = arith.constant 56 : i32
      %mul3A_468 = arith.muli %select_n3A_466, %mul3A_467 : i32
      %sub3A_469 = arith.subi %add3A_442, %mul3A_468 : i32
      %dma_wait3A_470 = arith.constant 0 : i32
      %dma_wait3A_471 = arith.constant 0 : i32
      %dma_wait3A_472 = tpu.memref_slice %arg7[%rem3A_439, %dma_wait3A_471] : memref<2x896xi32, #tpu.memory_space<vmem>> -> memref<1x896xi32, #tpu.memory_space<vmem>>
      %dma_wait3A_473 = tpu.memref_squeeze %dma_wait3A_472 : memref<1x896xi32, #tpu.memory_space<vmem>> -> memref<896xi32, #tpu.memory_space<vmem>>
      %dma_wait3A_474 = arith.constant 0 : i32
      %dma_wait3A_475 = tpu.memref_slice %arg2[%select_n3A_466, %dma_wait3A_470, %sub3A_469, %dma_wait3A_474] : memref<16x3x56x896xi32, #tpu.memory_space<hbm>> -> memref<1x1x1x896xi32, #tpu.memory_space<hbm>>
      %dma_wait3A_476 = tpu.memref_squeeze %dma_wait3A_475 : memref<1x1x1x896xi32, #tpu.memory_space<hbm>> -> memref<896xi32, #tpu.memory_space<hbm>>
      %dma_wait3A_477 = arith.constant 0 : i32
      %dma_wait3A_478 = tpu.memref_slice %arg7[%rem3A_439, %dma_wait3A_477] : memref<2x896xi32, #tpu.memory_space<vmem>> -> memref<1x896xi32, #tpu.memory_space<vmem>>
      %dma_wait3A_479 = tpu.memref_squeeze %dma_wait3A_478 : memref<1x896xi32, #tpu.memory_space<vmem>> -> memref<896xi32, #tpu.memory_space<vmem>>
      %dma_wait3A_480 = arith.constant 0 : i32
      %dma_wait3A_481 = tpu.memref_slice %arg2[%select_n3A_466, %dma_wait3A_470, %sub3A_469, %dma_wait3A_480] : memref<16x3x56x896xi32, #tpu.memory_space<hbm>> -> memref<1x1x1x896xi32, #tpu.memory_space<hbm>>
      %dma_wait3A_482 = tpu.memref_squeeze %dma_wait3A_481 : memref<1x1x1x896xi32, #tpu.memory_space<hbm>> -> memref<896xi32, #tpu.memory_space<hbm>>
      tpu.wait_dma2 semaphore(%arg9 : memref<!tpu.dma_semaphore, #tpu.memory_space<semaphore_mem>>) src(%dma_wait3A_482 : memref<896xi32, #tpu.memory_space<hbm>>) dst(%dma_wait3A_479 : memref<896xi32, #tpu.memory_space<vmem>>)
      %add3A_483 = arith.constant 1 : i32
      %add3A_484 = arith.addi %scan3A_437, %add3A_483 : i32
      %lt3A = arith.constant 28 : i32
      %lt3A_485 = arith.cmpi slt, %add3A_484, %lt3A : i32
      %convert_element_type3A = arith.extui %lt3A_485 : i1 to i32
      %cond3A = arith.constant 0 : i32
      %cond3A_486 = arith.cmpi ne, %convert_element_type3A, %cond3A : i32
      scf.if %cond3A_486 {
        %add3A_528 = arith.constant 1 : i32
        %add3A_529 = arith.addi %scan3A_437, %add3A_528 : i32
        %mul3A_530 = arith.constant 28 : i32
        %mul3A_531 = arith.muli %add3A, %mul3A_530 : i32
        %add3A_532 = arith.addi %mul3A_531, %add3A_529 : i32
        %jit3A_533 = arith.constant 56 : i32
        %div3A_534 = arith.divsi %add3A_532, %jit3A_533 : i32
        %sign3A_535 = arith.constant 0 : i32
        %sign3A_536 = arith.cmpi sgt, %add3A_532, %sign3A_535 : i32
        %sign3A_537 = arith.extui %sign3A_536 : i1 to i32
        %sign3A_538 = arith.constant 0 : i32
        %sign3A_539 = arith.cmpi slt, %add3A_532, %sign3A_538 : i32
        %sign3A_540 = arith.extui %sign3A_539 : i1 to i32
        %sign3A_541 = arith.subi %sign3A_537, %sign3A_540 : i32
        %sign3A_542 = arith.constant 0 : i32
        %sign3A_543 = arith.cmpi sgt, %jit3A_533, %sign3A_542 : i32
        %sign3A_544 = arith.extui %sign3A_543 : i1 to i32
        %sign3A_545 = arith.constant 0 : i32
        %sign3A_546 = arith.cmpi slt, %jit3A_533, %sign3A_545 : i32
        %sign3A_547 = arith.extui %sign3A_546 : i1 to i32
        %sign3A_548 = arith.subi %sign3A_544, %sign3A_547 : i32
        %ne3A_549 = arith.cmpi ne, %sign3A_541, %sign3A_548 : i32
        %rem3A_550 = arith.remsi %add3A_532, %jit3A_533 : i32
        %ne3A_551 = arith.constant 0 : i32
        %ne3A_552 = arith.cmpi ne, %rem3A_550, %ne3A_551 : i32
        %and3A_553 = arith.andi %ne3A_549, %ne3A_552 : i1
        %sub3A_554 = arith.constant 1 : i32
        %sub3A_555 = arith.subi %div3A_534, %sub3A_554 : i32
        %select_n3A_556 = arith.select %and3A_553, %sub3A_555, %div3A_534 : i32
        %mul3A_557 = arith.constant 56 : i32
        %mul3A_558 = arith.muli %select_n3A_556, %mul3A_557 : i32
        %sub3A_559 = arith.subi %add3A_532, %mul3A_558 : i32
        %sub3A_560 = arith.constant 1 : i32
        %sub3A_561 = arith.subi %sub3A_560, %rem3A_439 : i32
        %dma_start3A_562 = arith.constant 0 : i32
        %dma_start3A_563 = arith.constant 0 : i32
        %dma_start3A_564 = tpu.memref_slice %arg7[%sub3A_561, %dma_start3A_563] : memref<2x896xi32, #tpu.memory_space<vmem>> -> memref<1x896xi32, #tpu.memory_space<vmem>>
        %dma_start3A_565 = tpu.memref_squeeze %dma_start3A_564 : memref<1x896xi32, #tpu.memory_space<vmem>> -> memref<896xi32, #tpu.memory_space<vmem>>
        %dma_start3A_566 = arith.constant 0 : i32
        %dma_start3A_567 = tpu.memref_slice %arg2[%select_n3A_556, %dma_start3A_562, %sub3A_559, %dma_start3A_566] : memref<16x3x56x896xi32, #tpu.memory_space<hbm>> -> memref<1x1x1x896xi32, #tpu.memory_space<hbm>>
        %dma_start3A_568 = tpu.memref_squeeze %dma_start3A_567 : memref<1x1x1x896xi32, #tpu.memory_space<hbm>> -> memref<896xi32, #tpu.memory_space<hbm>>
        %dma_start3A_569 = arith.constant 0 : i32
        %dma_start3A_570 = tpu.memref_slice %arg7[%sub3A_561, %dma_start3A_569] : memref<2x896xi32, #tpu.memory_space<vmem>> -> memref<1x896xi32, #tpu.memory_space<vmem>>
        %dma_start3A_571 = tpu.memref_squeeze %dma_start3A_570 : memref<1x896xi32, #tpu.memory_space<vmem>> -> memref<896xi32, #tpu.memory_space<vmem>>
        %dma_start3A_572 = arith.constant 0 : i32
        %dma_start3A_573 = tpu.memref_slice %arg2[%select_n3A_556, %dma_start3A_562, %sub3A_559, %dma_start3A_572] : memref<16x3x56x896xi32, #tpu.memory_space<hbm>> -> memref<1x1x1x896xi32, #tpu.memory_space<hbm>>
        %dma_start3A_574 = tpu.memref_squeeze %dma_start3A_573 : memref<1x1x1x896xi32, #tpu.memory_space<hbm>> -> memref<896xi32, #tpu.memory_space<hbm>>
        tpu.enqueue_dma source(%dma_start3A_574 : memref<896xi32, #tpu.memory_space<hbm>>) target(%dma_start3A_571 : memref<896xi32, #tpu.memory_space<vmem>>) target_semaphore(%arg9 : memref<!tpu.dma_semaphore, #tpu.memory_space<semaphore_mem>>)
      } else {
      }
      %ge3A = arith.constant 2 : i32
      %ge3A_487 = arith.cmpi sge, %scan3A_437, %ge3A : i32
      %convert_element_type3A_488 = arith.extui %ge3A_487 : i1 to i32
      %cond3A_489 = arith.constant 0 : i32
      %cond3A_490 = arith.cmpi ne, %convert_element_type3A_488, %cond3A_489 : i32
      scf.if %cond3A_490 {
        %sub3A_528 = arith.constant 2 : i32
        %sub3A_529 = arith.subi %scan3A_437, %sub3A_528 : i32
        %mul3A_530 = arith.constant 28 : i32
        %mul3A_531 = arith.muli %add3A, %mul3A_530 : i32
        %add3A_532 = arith.addi %mul3A_531, %sub3A_529 : i32
        %jit3A_533 = arith.constant 56 : i32
        %div3A_534 = arith.divsi %add3A_532, %jit3A_533 : i32
        %sign3A_535 = arith.constant 0 : i32
        %sign3A_536 = arith.cmpi sgt, %add3A_532, %sign3A_535 : i32
        %sign3A_537 = arith.extui %sign3A_536 : i1 to i32
        %sign3A_538 = arith.constant 0 : i32
        %sign3A_539 = arith.cmpi slt, %add3A_532, %sign3A_538 : i32
        %sign3A_540 = arith.extui %sign3A_539 : i1 to i32
        %sign3A_541 = arith.subi %sign3A_537, %sign3A_540 : i32
        %sign3A_542 = arith.constant 0 : i32
        %sign3A_543 = arith.cmpi sgt, %jit3A_533, %sign3A_542 : i32
        %sign3A_544 = arith.extui %sign3A_543 : i1 to i32
        %sign3A_545 = arith.constant 0 : i32
        %sign3A_546 = arith.cmpi slt, %jit3A_533, %sign3A_545 : i32
        %sign3A_547 = arith.extui %sign3A_546 : i1 to i32
        %sign3A_548 = arith.subi %sign3A_544, %sign3A_547 : i32
        %ne3A_549 = arith.cmpi ne, %sign3A_541, %sign3A_548 : i32
        %rem3A_550 = arith.remsi %add3A_532, %jit3A_533 : i32
        %ne3A_551 = arith.constant 0 : i32
        %ne3A_552 = arith.cmpi ne, %rem3A_550, %ne3A_551 : i32
        %and3A_553 = arith.andi %ne3A_549, %ne3A_552 : i1
        %sub3A_554 = arith.constant 1 : i32
        %sub3A_555 = arith.subi %div3A_534, %sub3A_554 : i32
        %select_n3A_556 = arith.select %and3A_553, %sub3A_555, %div3A_534 : i32
        %mul3A_557 = arith.constant 56 : i32
        %mul3A_558 = arith.muli %select_n3A_556, %mul3A_557 : i32
        %sub3A_559 = arith.subi %add3A_532, %mul3A_558 : i32
        %dma_wait3A_560 = arith.constant 0 : i32
        %dma_wait3A_561 = arith.constant 0 : i32
        %dma_wait3A_562 = arith.constant 0 : i32
        %dma_wait3A_563 = tpu.memref_slice %arg8[%rem3A_439, %dma_wait3A_561, %dma_wait3A_562] : memref<2x896x16xf32, #tpu.memory_space<vmem>> -> memref<1x896x16xf32, #tpu.memory_space<vmem>>
        %dma_wait3A_564 = tpu.memref_squeeze %dma_wait3A_563 : memref<1x896x16xf32, #tpu.memory_space<vmem>> -> memref<896x16xf32, #tpu.memory_space<vmem>>
        %dma_wait3A_565 = arith.constant 0 : i32
        %dma_wait3A_566 = arith.constant 0 : i32
        %dma_wait3A_567 = tpu.memref_slice %arg6[%select_n3A_556, %dma_wait3A_560, %sub3A_559, %dma_wait3A_565, %dma_wait3A_566] : memref<16x3x56x896x16xf32, #tpu.memory_space<hbm>> -> memref<1x1x1x896x16xf32, #tpu.memory_space<hbm>>
        %dma_wait3A_568 = tpu.memref_squeeze %dma_wait3A_567 : memref<1x1x1x896x16xf32, #tpu.memory_space<hbm>> -> memref<896x16xf32, #tpu.memory_space<hbm>>
        %dma_wait3A_569 = arith.constant 0 : i32
        %dma_wait3A_570 = arith.constant 0 : i32
        %dma_wait3A_571 = tpu.memref_slice %arg6[%select_n3A_556, %dma_wait3A_560, %sub3A_559, %dma_wait3A_569, %dma_wait3A_570] : memref<16x3x56x896x16xf32, #tpu.memory_space<hbm>> -> memref<1x1x1x896x16xf32, #tpu.memory_space<hbm>>
        %dma_wait3A_572 = tpu.memref_squeeze %dma_wait3A_571 : memref<1x1x1x896x16xf32, #tpu.memory_space<hbm>> -> memref<896x16xf32, #tpu.memory_space<hbm>>
        %dma_wait3A_573 = arith.constant 0 : i32
        %dma_wait3A_574 = arith.constant 0 : i32
        %dma_wait3A_575 = tpu.memref_slice %arg8[%rem3A_439, %dma_wait3A_573, %dma_wait3A_574] : memref<2x896x16xf32, #tpu.memory_space<vmem>> -> memref<1x896x16xf32, #tpu.memory_space<vmem>>
        %dma_wait3A_576 = tpu.memref_squeeze %dma_wait3A_575 : memref<1x896x16xf32, #tpu.memory_space<vmem>> -> memref<896x16xf32, #tpu.memory_space<vmem>>
        tpu.wait_dma2 semaphore(%arg10 : memref<!tpu.dma_semaphore, #tpu.memory_space<semaphore_mem>>) src(%dma_wait3A_576 : memref<896x16xf32, #tpu.memory_space<vmem>>) dst(%dma_wait3A_572 : memref<896x16xf32, #tpu.memory_space<hbm>>)
      } else {
      }
      %dma_start3A_491 = arith.constant 0 : i32
      %dma_start3A_492 = arith.constant 0 : i32
      %dma_start3A_493 = tpu.memref_slice %arg8[%rem3A_439, %dma_start3A_491, %dma_start3A_492] : memref<2x896x16xf32, #tpu.memory_space<vmem>> -> memref<1x896x16xf32, #tpu.memory_space<vmem>>
      %dma_start3A_494 = tpu.memref_squeeze %dma_start3A_493 : memref<1x896x16xf32, #tpu.memory_space<vmem>> -> memref<896x16xf32, #tpu.memory_space<vmem>>
      %dma_start3A_495 = arith.constant 0 : i32
      %dma_start3A_496 = tpu.memref_slice %arg7[%rem3A_439, %dma_start3A_495] : memref<2x896xi32, #tpu.memory_space<vmem>> -> memref<1x896xi32, #tpu.memory_space<vmem>>
      %dma_start3A_497 = tpu.memref_squeeze %dma_start3A_496 : memref<1x896xi32, #tpu.memory_space<vmem>> -> memref<896xi32, #tpu.memory_space<vmem>>
      %dma_start3A_498 = arith.constant 0 : i32
      %dma_start3A_499 = arith.constant 0 : i32
      %dma_start3A_500 = tpu.memref_slice %arg3[%dma_start3A_498, %dma_start3A_499] : memref<100001x16xf32, #tpu.memory_space<hbm>> -> memref<100001x16xf32, #tpu.memory_space<hbm>>
      tpu.enqueue_indirect_dma source(%dma_start3A_500 : memref<100001x16xf32, #tpu.memory_space<hbm>>) target(%dma_start3A_494 : memref<896x16xf32, #tpu.memory_space<vmem>>) offsets(%dma_start3A_497 : memref<896xi32, #tpu.memory_space<vmem>>) semaphore(%arg11 : memref<!tpu.dma_semaphore, #tpu.memory_space<semaphore_mem>>)
      %dma_wait3A_501 = arith.constant 0 : i32
      %dma_wait3A_502 = arith.constant 0 : i32
      %dma_wait3A_503 = tpu.memref_slice %arg8[%rem3A_439, %dma_wait3A_501, %dma_wait3A_502] : memref<2x896x16xf32, #tpu.memory_space<vmem>> -> memref<1x896x16xf32, #tpu.memory_space<vmem>>
      %dma_wait3A_504 = tpu.memref_squeeze %dma_wait3A_503 : memref<1x896x16xf32, #tpu.memory_space<vmem>> -> memref<896x16xf32, #tpu.memory_space<vmem>>
      %dma_wait3A_505 = arith.constant 0 : i32
      %dma_wait3A_506 = tpu.memref_slice %arg7[%rem3A_439, %dma_wait3A_505] : memref<2x896xi32, #tpu.memory_space<vmem>> -> memref<1x896xi32, #tpu.memory_space<vmem>>
      %dma_wait3A_507 = tpu.memref_squeeze %dma_wait3A_506 : memref<1x896xi32, #tpu.memory_space<vmem>> -> memref<896xi32, #tpu.memory_space<vmem>>
      %dma_wait3A_508 = arith.constant 0 : i32
      %dma_wait3A_509 = arith.constant 0 : i32
      %dma_wait3A_510 = tpu.memref_slice %arg3[%dma_wait3A_508, %dma_wait3A_509] : memref<100001x16xf32, #tpu.memory_space<hbm>> -> memref<100001x16xf32, #tpu.memory_space<hbm>>
      tpu.wait_indirect_dma semaphore(%arg11 : memref<!tpu.dma_semaphore, #tpu.memory_space<semaphore_mem>>) src(%dma_wait3A_510 : memref<100001x16xf32, #tpu.memory_space<hbm>>) dst(%dma_wait3A_504 : memref<896x16xf32, #tpu.memory_space<vmem>>)
      %dma_start3A_511 = arith.constant 0 : i32
      %dma_start3A_512 = arith.constant 0 : i32
      %dma_start3A_513 = arith.constant 0 : i32
      %dma_start3A_514 = tpu.memref_slice %arg8[%rem3A_439, %dma_start3A_512, %dma_start3A_513] : memref<2x896x16xf32, #tpu.memory_space<vmem>> -> memref<1x896x16xf32, #tpu.memory_space<vmem>>
      %dma_start3A_515 = tpu.memref_squeeze %dma_start3A_514 : memref<1x896x16xf32, #tpu.memory_space<vmem>> -> memref<896x16xf32, #tpu.memory_space<vmem>>
      %dma_start3A_516 = arith.constant 0 : i32
      %dma_start3A_517 = arith.constant 0 : i32
      %dma_start3A_518 = tpu.memref_slice %arg6[%select_n3A_466, %dma_start3A_511, %sub3A_469, %dma_start3A_516, %dma_start3A_517] : memref<16x3x56x896x16xf32, #tpu.memory_space<hbm>> -> memref<1x1x1x896x16xf32, #tpu.memory_space<hbm>>
      %dma_start3A_519 = tpu.memref_squeeze %dma_start3A_518 : memref<1x1x1x896x16xf32, #tpu.memory_space<hbm>> -> memref<896x16xf32, #tpu.memory_space<hbm>>
      %dma_start3A_520 = arith.constant 0 : i32
      %dma_start3A_521 = arith.constant 0 : i32
      %dma_start3A_522 = tpu.memref_slice %arg6[%select_n3A_466, %dma_start3A_511, %sub3A_469, %dma_start3A_520, %dma_start3A_521] : memref<16x3x56x896x16xf32, #tpu.memory_space<hbm>> -> memref<1x1x1x896x16xf32, #tpu.memory_space<hbm>>
      %dma_start3A_523 = tpu.memref_squeeze %dma_start3A_522 : memref<1x1x1x896x16xf32, #tpu.memory_space<hbm>> -> memref<896x16xf32, #tpu.memory_space<hbm>>
      %dma_start3A_524 = arith.constant 0 : i32
      %dma_start3A_525 = arith.constant 0 : i32
      %dma_start3A_526 = tpu.memref_slice %arg8[%rem3A_439, %dma_start3A_524, %dma_start3A_525] : memref<2x896x16xf32, #tpu.memory_space<vmem>> -> memref<1x896x16xf32, #tpu.memory_space<vmem>>
      %dma_start3A_527 = tpu.memref_squeeze %dma_start3A_526 : memref<1x896x16xf32, #tpu.memory_space<vmem>> -> memref<896x16xf32, #tpu.memory_space<vmem>>
      tpu.enqueue_dma source(%dma_start3A_527 : memref<896x16xf32, #tpu.memory_space<vmem>>) target(%dma_start3A_523 : memref<896x16xf32, #tpu.memory_space<hbm>>) target_semaphore(%arg10 : memref<!tpu.dma_semaphore, #tpu.memory_space<semaphore_mem>>)
    }
    %scan3A_41 = arith.constant 28 : i32
    %mul3A_42 = arith.constant 28 : i32
    %mul3A_43 = arith.muli %add3A, %mul3A_42 : i32
    %add3A_44 = arith.constant 26 : i32
    %add3A_45 = arith.addi %mul3A_43, %add3A_44 : i32
    %jit3A_46 = arith.constant 56 : i32
    %div3A_47 = arith.divsi %add3A_45, %jit3A_46 : i32
    %sign3A_48 = arith.constant 0 : i32
    %sign3A_49 = arith.cmpi sgt, %add3A_45, %sign3A_48 : i32
    %sign3A_50 = arith.extui %sign3A_49 : i1 to i32
    %sign3A_51 = arith.constant 0 : i32
    %sign3A_52 = arith.cmpi slt, %add3A_45, %sign3A_51 : i32
    %sign3A_53 = arith.extui %sign3A_52 : i1 to i32
    %sign3A_54 = arith.subi %sign3A_50, %sign3A_53 : i32
    %sign3A_55 = arith.constant 0 : i32
    %sign3A_56 = arith.cmpi sgt, %jit3A_46, %sign3A_55 : i32
    %sign3A_57 = arith.extui %sign3A_56 : i1 to i32
    %sign3A_58 = arith.constant 0 : i32
    %sign3A_59 = arith.cmpi slt, %jit3A_46, %sign3A_58 : i32
    %sign3A_60 = arith.extui %sign3A_59 : i1 to i32
    %sign3A_61 = arith.subi %sign3A_57, %sign3A_60 : i32
    %ne3A_62 = arith.cmpi ne, %sign3A_54, %sign3A_61 : i32
    %rem3A_63 = arith.remsi %add3A_45, %jit3A_46 : i32
    %ne3A_64 = arith.constant 0 : i32
    %ne3A_65 = arith.cmpi ne, %rem3A_63, %ne3A_64 : i32
    %and3A_66 = arith.andi %ne3A_62, %ne3A_65 : i1
    %sub3A_67 = arith.constant 1 : i32
    %sub3A_68 = arith.subi %div3A_47, %sub3A_67 : i32
    %select_n3A_69 = arith.select %and3A_66, %sub3A_68, %div3A_47 : i32
    %mul3A_70 = arith.constant 56 : i32
    %mul3A_71 = arith.muli %select_n3A_69, %mul3A_70 : i32
    %sub3A_72 = arith.subi %add3A_45, %mul3A_71 : i32
    %dma_wait3A = arith.constant 0 : i32
    %dma_wait3A_73 = arith.constant 0 : i32
    %dma_wait3A_74 = arith.constant 0 : i32
    %dma_wait3A_75 = arith.constant 0 : i32
    %dma_wait3A_76 = tpu.memref_slice %arg8[%dma_wait3A, %dma_wait3A_74, %dma_wait3A_75] : memref<2x896x16xf32, #tpu.memory_space<vmem>> -> memref<1x896x16xf32, #tpu.memory_space<vmem>>
    %dma_wait3A_77 = tpu.memref_squeeze %dma_wait3A_76 : memref<1x896x16xf32, #tpu.memory_space<vmem>> -> memref<896x16xf32, #tpu.memory_space<vmem>>
    %dma_wait3A_78 = arith.constant 0 : i32
    %dma_wait3A_79 = arith.constant 0 : i32
    %dma_wait3A_80 = tpu.memref_slice %arg6[%select_n3A_69, %dma_wait3A_73, %sub3A_72, %dma_wait3A_78, %dma_wait3A_79] : memref<16x3x56x896x16xf32, #tpu.memory_space<hbm>> -> memref<1x1x1x896x16xf32, #tpu.memory_space<hbm>>
    %dma_wait3A_81 = tpu.memref_squeeze %dma_wait3A_80 : memref<1x1x1x896x16xf32, #tpu.memory_space<hbm>> -> memref<896x16xf32, #tpu.memory_space<hbm>>
    %dma_wait3A_82 = arith.constant 0 : i32
    %dma_wait3A_83 = arith.constant 0 : i32
    %dma_wait3A_84 = tpu.memref_slice %arg6[%select_n3A_69, %dma_wait3A_73, %sub3A_72, %dma_wait3A_82, %dma_wait3A_83] : memref<16x3x56x896x16xf32, #tpu.memory_space<hbm>> -> memref<1x1x1x896x16xf32, #tpu.memory_space<hbm>>
    %dma_wait3A_85 = tpu.memref_squeeze %dma_wait3A_84 : memref<1x1x1x896x16xf32, #tpu.memory_space<hbm>> -> memref<896x16xf32, #tpu.memory_space<hbm>>
    %dma_wait3A_86 = arith.constant 0 : i32
    %dma_wait3A_87 = arith.constant 0 : i32
    %dma_wait3A_88 = tpu.memref_slice %arg8[%dma_wait3A, %dma_wait3A_86, %dma_wait3A_87] : memref<2x896x16xf32, #tpu.memory_space<vmem>> -> memref<1x896x16xf32, #tpu.memory_space<vmem>>
    %dma_wait3A_89 = tpu.memref_squeeze %dma_wait3A_88 : memref<1x896x16xf32, #tpu.memory_space<vmem>> -> memref<896x16xf32, #tpu.memory_space<vmem>>
    tpu.wait_dma2 semaphore(%arg10 : memref<!tpu.dma_semaphore, #tpu.memory_space<semaphore_mem>>) src(%dma_wait3A_89 : memref<896x16xf32, #tpu.memory_space<vmem>>) dst(%dma_wait3A_85 : memref<896x16xf32, #tpu.memory_space<hbm>>)
    %mul3A_90 = arith.constant 28 : i32
    %mul3A_91 = arith.muli %add3A, %mul3A_90 : i32
    %add3A_92 = arith.constant 27 : i32
    %add3A_93 = arith.addi %mul3A_91, %add3A_92 : i32
    %jit3A_94 = arith.constant 56 : i32
    %div3A_95 = arith.divsi %add3A_93, %jit3A_94 : i32
    %sign3A_96 = arith.constant 0 : i32
    %sign3A_97 = arith.cmpi sgt, %add3A_93, %sign3A_96 : i32
    %sign3A_98 = arith.extui %sign3A_97 : i1 to i32
    %sign3A_99 = arith.constant 0 : i32
    %sign3A_100 = arith.cmpi slt, %add3A_93, %sign3A_99 : i32
    %sign3A_101 = arith.extui %sign3A_100 : i1 to i32
    %sign3A_102 = arith.subi %sign3A_98, %sign3A_101 : i32
    %sign3A_103 = arith.constant 0 : i32
    %sign3A_104 = arith.cmpi sgt, %jit3A_94, %sign3A_103 : i32
    %sign3A_105 = arith.extui %sign3A_104 : i1 to i32
    %sign3A_106 = arith.constant 0 : i32
    %sign3A_107 = arith.cmpi slt, %jit3A_94, %sign3A_106 : i32
    %sign3A_108 = arith.extui %sign3A_107 : i1 to i32
    %sign3A_109 = arith.subi %sign3A_105, %sign3A_108 : i32
    %ne3A_110 = arith.cmpi ne, %sign3A_102, %sign3A_109 : i32
    %rem3A_111 = arith.remsi %add3A_93, %jit3A_94 : i32
    %ne3A_112 = arith.constant 0 : i32
    %ne3A_113 = arith.cmpi ne, %rem3A_111, %ne3A_112 : i32
    %and3A_114 = arith.andi %ne3A_110, %ne3A_113 : i1
    %sub3A_115 = arith.constant 1 : i32
    %sub3A_116 = arith.subi %div3A_95, %sub3A_115 : i32
    %select_n3A_117 = arith.select %and3A_114, %sub3A_116, %div3A_95 : i32
    %mul3A_118 = arith.constant 56 : i32
    %mul3A_119 = arith.muli %select_n3A_117, %mul3A_118 : i32
    %sub3A_120 = arith.subi %add3A_93, %mul3A_119 : i32
    %dma_wait3A_121 = arith.constant 1 : i32
    %dma_wait3A_122 = arith.constant 0 : i32
    %dma_wait3A_123 = arith.constant 0 : i32
    %dma_wait3A_124 = arith.constant 0 : i32
    %dma_wait3A_125 = tpu.memref_slice %arg8[%dma_wait3A_121, %dma_wait3A_123, %dma_wait3A_124] : memref<2x896x16xf32, #tpu.memory_space<vmem>> -> memref<1x896x16xf32, #tpu.memory_space<vmem>>
    %dma_wait3A_126 = tpu.memref_squeeze %dma_wait3A_125 : memref<1x896x16xf32, #tpu.memory_space<vmem>> -> memref<896x16xf32, #tpu.memory_space<vmem>>
    %dma_wait3A_127 = arith.constant 0 : i32
    %dma_wait3A_128 = arith.constant 0 : i32
    %dma_wait3A_129 = tpu.memref_slice %arg6[%select_n3A_117, %dma_wait3A_122, %sub3A_120, %dma_wait3A_127, %dma_wait3A_128] : memref<16x3x56x896x16xf32, #tpu.memory_space<hbm>> -> memref<1x1x1x896x16xf32, #tpu.memory_space<hbm>>
    %dma_wait3A_130 = tpu.memref_squeeze %dma_wait3A_129 : memref<1x1x1x896x16xf32, #tpu.memory_space<hbm>> -> memref<896x16xf32, #tpu.memory_space<hbm>>
    %dma_wait3A_131 = arith.constant 0 : i32
    %dma_wait3A_132 = arith.constant 0 : i32
    %dma_wait3A_133 = tpu.memref_slice %arg6[%select_n3A_117, %dma_wait3A_122, %sub3A_120, %dma_wait3A_131, %dma_wait3A_132] : memref<16x3x56x896x16xf32, #tpu.memory_space<hbm>> -> memref<1x1x1x896x16xf32, #tpu.memory_space<hbm>>
    %dma_wait3A_134 = tpu.memref_squeeze %dma_wait3A_133 : memref<1x1x1x896x16xf32, #tpu.memory_space<hbm>> -> memref<896x16xf32, #tpu.memory_space<hbm>>
    %dma_wait3A_135 = arith.constant 0 : i32
    %dma_wait3A_136 = arith.constant 0 : i32
    %dma_wait3A_137 = tpu.memref_slice %arg8[%dma_wait3A_121, %dma_wait3A_135, %dma_wait3A_136] : memref<2x896x16xf32, #tpu.memory_space<vmem>> -> memref<1x896x16xf32, #tpu.memory_space<vmem>>
    %dma_wait3A_138 = tpu.memref_squeeze %dma_wait3A_137 : memref<1x896x16xf32, #tpu.memory_space<vmem>> -> memref<896x16xf32, #tpu.memory_space<vmem>>
    tpu.wait_dma2 semaphore(%arg10 : memref<!tpu.dma_semaphore, #tpu.memory_space<semaphore_mem>>) src(%dma_wait3A_138 : memref<896x16xf32, #tpu.memory_space<vmem>>) dst(%dma_wait3A_134 : memref<896x16xf32, #tpu.memory_space<hbm>>)
    %mul3A_139 = arith.constant 28 : i32
    %mul3A_140 = arith.muli %add3A, %mul3A_139 : i32
    %add3A_141 = arith.constant 0 : i32
    %add3A_142 = arith.addi %mul3A_140, %add3A_141 : i32
    %jit3A_143 = arith.constant 56 : i32
    %div3A_144 = arith.divsi %add3A_142, %jit3A_143 : i32
    %sign3A_145 = arith.constant 0 : i32
    %sign3A_146 = arith.cmpi sgt, %add3A_142, %sign3A_145 : i32
    %sign3A_147 = arith.extui %sign3A_146 : i1 to i32
    %sign3A_148 = arith.constant 0 : i32
    %sign3A_149 = arith.cmpi slt, %add3A_142, %sign3A_148 : i32
    %sign3A_150 = arith.extui %sign3A_149 : i1 to i32
    %sign3A_151 = arith.subi %sign3A_147, %sign3A_150 : i32
    %sign3A_152 = arith.constant 0 : i32
    %sign3A_153 = arith.cmpi sgt, %jit3A_143, %sign3A_152 : i32
    %sign3A_154 = arith.extui %sign3A_153 : i1 to i32
    %sign3A_155 = arith.constant 0 : i32
    %sign3A_156 = arith.cmpi slt, %jit3A_143, %sign3A_155 : i32
    %sign3A_157 = arith.extui %sign3A_156 : i1 to i32
    %sign3A_158 = arith.subi %sign3A_154, %sign3A_157 : i32
    %ne3A_159 = arith.cmpi ne, %sign3A_151, %sign3A_158 : i32
    %rem3A_160 = arith.remsi %add3A_142, %jit3A_143 : i32
    %ne3A_161 = arith.constant 0 : i32
    %ne3A_162 = arith.cmpi ne, %rem3A_160, %ne3A_161 : i32
    %and3A_163 = arith.andi %ne3A_159, %ne3A_162 : i1
    %sub3A_164 = arith.constant 1 : i32
    %sub3A_165 = arith.subi %div3A_144, %sub3A_164 : i32
    %select_n3A_166 = arith.select %and3A_163, %sub3A_165, %div3A_144 : i32
    %mul3A_167 = arith.constant 56 : i32
    %mul3A_168 = arith.muli %select_n3A_166, %mul3A_167 : i32
    %sub3A_169 = arith.subi %add3A_142, %mul3A_168 : i32
    %dma_start3A_170 = arith.constant 1 : i32
    %dma_start3A_171 = arith.constant 0 : i32
    %dma_start3A_172 = arith.constant 0 : i32
    %dma_start3A_173 = tpu.memref_slice %arg7[%dma_start3A_171, %dma_start3A_172] : memref<2x896xi32, #tpu.memory_space<vmem>> -> memref<1x896xi32, #tpu.memory_space<vmem>>
    %dma_start3A_174 = tpu.memref_squeeze %dma_start3A_173 : memref<1x896xi32, #tpu.memory_space<vmem>> -> memref<896xi32, #tpu.memory_space<vmem>>
    %dma_start3A_175 = arith.constant 0 : i32
    %dma_start3A_176 = tpu.memref_slice %arg2[%select_n3A_166, %dma_start3A_170, %sub3A_169, %dma_start3A_175] : memref<16x3x56x896xi32, #tpu.memory_space<hbm>> -> memref<1x1x1x896xi32, #tpu.memory_space<hbm>>
    %dma_start3A_177 = tpu.memref_squeeze %dma_start3A_176 : memref<1x1x1x896xi32, #tpu.memory_space<hbm>> -> memref<896xi32, #tpu.memory_space<hbm>>
    %dma_start3A_178 = arith.constant 0 : i32
    %dma_start3A_179 = tpu.memref_slice %arg7[%dma_start3A_171, %dma_start3A_178] : memref<2x896xi32, #tpu.memory_space<vmem>> -> memref<1x896xi32, #tpu.memory_space<vmem>>
    %dma_start3A_180 = tpu.memref_squeeze %dma_start3A_179 : memref<1x896xi32, #tpu.memory_space<vmem>> -> memref<896xi32, #tpu.memory_space<vmem>>
    %dma_start3A_181 = arith.constant 0 : i32
    %dma_start3A_182 = tpu.memref_slice %arg2[%select_n3A_166, %dma_start3A_170, %sub3A_169, %dma_start3A_181] : memref<16x3x56x896xi32, #tpu.memory_space<hbm>> -> memref<1x1x1x896xi32, #tpu.memory_space<hbm>>
    %dma_start3A_183 = tpu.memref_squeeze %dma_start3A_182 : memref<1x1x1x896xi32, #tpu.memory_space<hbm>> -> memref<896xi32, #tpu.memory_space<hbm>>
    tpu.enqueue_dma source(%dma_start3A_183 : memref<896xi32, #tpu.memory_space<hbm>>) target(%dma_start3A_180 : memref<896xi32, #tpu.memory_space<vmem>>) target_semaphore(%arg9 : memref<!tpu.dma_semaphore, #tpu.memory_space<semaphore_mem>>)
    %scan3A_184 = arith.constant 0 : i32
    %scan3A_185 = arith.constant 0 : i32
    %scan3A_186 = arith.constant 28 : i32
    %scan3A_187 = arith.addi %scan3A_185, %scan3A_186 : i32
    %scan3A_188 = arith.constant 1 : i32
    scf.for %scan3A_437 = %scan3A_185 to %scan3A_187 step %scan3A_188  : i32 {
      %rem3A_438 = arith.constant 2 : i32
      %rem3A_439 = arith.remsi %scan3A_437, %rem3A_438 : i32
      %mul3A_440 = arith.constant 28 : i32
      %mul3A_441 = arith.muli %add3A, %mul3A_440 : i32
      %add3A_442 = arith.addi %mul3A_441, %scan3A_437 : i32
      %jit3A_443 = arith.constant 56 : i32
      %div3A_444 = arith.divsi %add3A_442, %jit3A_443 : i32
      %sign3A_445 = arith.constant 0 : i32
      %sign3A_446 = arith.cmpi sgt, %add3A_442, %sign3A_445 : i32
      %sign3A_447 = arith.extui %sign3A_446 : i1 to i32
      %sign3A_448 = arith.constant 0 : i32
      %sign3A_449 = arith.cmpi slt, %add3A_442, %sign3A_448 : i32
      %sign3A_450 = arith.extui %sign3A_449 : i1 to i32
      %sign3A_451 = arith.subi %sign3A_447, %sign3A_450 : i32
      %sign3A_452 = arith.constant 0 : i32
      %sign3A_453 = arith.cmpi sgt, %jit3A_443, %sign3A_452 : i32
      %sign3A_454 = arith.extui %sign3A_453 : i1 to i32
      %sign3A_455 = arith.constant 0 : i32
      %sign3A_456 = arith.cmpi slt, %jit3A_443, %sign3A_455 : i32
      %sign3A_457 = arith.extui %sign3A_456 : i1 to i32
      %sign3A_458 = arith.subi %sign3A_454, %sign3A_457 : i32
      %ne3A_459 = arith.cmpi ne, %sign3A_451, %sign3A_458 : i32
      %rem3A_460 = arith.remsi %add3A_442, %jit3A_443 : i32
      %ne3A_461 = arith.constant 0 : i32
      %ne3A_462 = arith.cmpi ne, %rem3A_460, %ne3A_461 : i32
      %and3A_463 = arith.andi %ne3A_459, %ne3A_462 : i1
      %sub3A_464 = arith.constant 1 : i32
      %sub3A_465 = arith.subi %div3A_444, %sub3A_464 : i32
      %select_n3A_466 = arith.select %and3A_463, %sub3A_465, %div3A_444 : i32
      %mul3A_467 = arith.constant 56 : i32
      %mul3A_468 = arith.muli %select_n3A_466, %mul3A_467 : i32
      %sub3A_469 = arith.subi %add3A_442, %mul3A_468 : i32
      %dma_wait3A_470 = arith.constant 1 : i32
      %dma_wait3A_471 = arith.constant 0 : i32
      %dma_wait3A_472 = tpu.memref_slice %arg7[%rem3A_439, %dma_wait3A_471] : memref<2x896xi32, #tpu.memory_space<vmem>> -> memref<1x896xi32, #tpu.memory_space<vmem>>
      %dma_wait3A_473 = tpu.memref_squeeze %dma_wait3A_472 : memref<1x896xi32, #tpu.memory_space<vmem>> -> memref<896xi32, #tpu.memory_space<vmem>>
      %dma_wait3A_474 = arith.constant 0 : i32
      %dma_wait3A_475 = tpu.memref_slice %arg2[%select_n3A_466, %dma_wait3A_470, %sub3A_469, %dma_wait3A_474] : memref<16x3x56x896xi32, #tpu.memory_space<hbm>> -> memref<1x1x1x896xi32, #tpu.memory_space<hbm>>
      %dma_wait3A_476 = tpu.memref_squeeze %dma_wait3A_475 : memref<1x1x1x896xi32, #tpu.memory_space<hbm>> -> memref<896xi32, #tpu.memory_space<hbm>>
      %dma_wait3A_477 = arith.constant 0 : i32
      %dma_wait3A_478 = tpu.memref_slice %arg7[%rem3A_439, %dma_wait3A_477] : memref<2x896xi32, #tpu.memory_space<vmem>> -> memref<1x896xi32, #tpu.memory_space<vmem>>
      %dma_wait3A_479 = tpu.memref_squeeze %dma_wait3A_478 : memref<1x896xi32, #tpu.memory_space<vmem>> -> memref<896xi32, #tpu.memory_space<vmem>>
      %dma_wait3A_480 = arith.constant 0 : i32
      %dma_wait3A_481 = tpu.memref_slice %arg2[%select_n3A_466, %dma_wait3A_470, %sub3A_469, %dma_wait3A_480] : memref<16x3x56x896xi32, #tpu.memory_space<hbm>> -> memref<1x1x1x896xi32, #tpu.memory_space<hbm>>
      %dma_wait3A_482 = tpu.memref_squeeze %dma_wait3A_481 : memref<1x1x1x896xi32, #tpu.memory_space<hbm>> -> memref<896xi32, #tpu.memory_space<hbm>>
      tpu.wait_dma2 semaphore(%arg9 : memref<!tpu.dma_semaphore, #tpu.memory_space<semaphore_mem>>) src(%dma_wait3A_482 : memref<896xi32, #tpu.memory_space<hbm>>) dst(%dma_wait3A_479 : memref<896xi32, #tpu.memory_space<vmem>>)
      %add3A_483 = arith.constant 1 : i32
      %add3A_484 = arith.addi %scan3A_437, %add3A_483 : i32
      %lt3A = arith.constant 28 : i32
      %lt3A_485 = arith.cmpi slt, %add3A_484, %lt3A : i32
      %convert_element_type3A = arith.extui %lt3A_485 : i1 to i32
      %cond3A = arith.constant 0 : i32
      %cond3A_486 = arith.cmpi ne, %convert_element_type3A, %cond3A : i32
      scf.if %cond3A_486 {
        %add3A_528 = arith.constant 1 : i32
        %add3A_529 = arith.addi %scan3A_437, %add3A_528 : i32
        %mul3A_530 = arith.constant 28 : i32
        %mul3A_531 = arith.muli %add3A, %mul3A_530 : i32
        %add3A_532 = arith.addi %mul3A_531, %add3A_529 : i32
        %jit3A_533 = arith.constant 56 : i32
        %div3A_534 = arith.divsi %add3A_532, %jit3A_533 : i32
        %sign3A_535 = arith.constant 0 : i32
        %sign3A_536 = arith.cmpi sgt, %add3A_532, %sign3A_535 : i32
        %sign3A_537 = arith.extui %sign3A_536 : i1 to i32
        %sign3A_538 = arith.constant 0 : i32
        %sign3A_539 = arith.cmpi slt, %add3A_532, %sign3A_538 : i32
        %sign3A_540 = arith.extui %sign3A_539 : i1 to i32
        %sign3A_541 = arith.subi %sign3A_537, %sign3A_540 : i32
        %sign3A_542 = arith.constant 0 : i32
        %sign3A_543 = arith.cmpi sgt, %jit3A_533, %sign3A_542 : i32
        %sign3A_544 = arith.extui %sign3A_543 : i1 to i32
        %sign3A_545 = arith.constant 0 : i32
        %sign3A_546 = arith.cmpi slt, %jit3A_533, %sign3A_545 : i32
        %sign3A_547 = arith.extui %sign3A_546 : i1 to i32
        %sign3A_548 = arith.subi %sign3A_544, %sign3A_547 : i32
        %ne3A_549 = arith.cmpi ne, %sign3A_541, %sign3A_548 : i32
        %rem3A_550 = arith.remsi %add3A_532, %jit3A_533 : i32
        %ne3A_551 = arith.constant 0 : i32
        %ne3A_552 = arith.cmpi ne, %rem3A_550, %ne3A_551 : i32
        %and3A_553 = arith.andi %ne3A_549, %ne3A_552 : i1
        %sub3A_554 = arith.constant 1 : i32
        %sub3A_555 = arith.subi %div3A_534, %sub3A_554 : i32
        %select_n3A_556 = arith.select %and3A_553, %sub3A_555, %div3A_534 : i32
        %mul3A_557 = arith.constant 56 : i32
        %mul3A_558 = arith.muli %select_n3A_556, %mul3A_557 : i32
        %sub3A_559 = arith.subi %add3A_532, %mul3A_558 : i32
        %sub3A_560 = arith.constant 1 : i32
        %sub3A_561 = arith.subi %sub3A_560, %rem3A_439 : i32
        %dma_start3A_562 = arith.constant 1 : i32
        %dma_start3A_563 = arith.constant 0 : i32
        %dma_start3A_564 = tpu.memref_slice %arg7[%sub3A_561, %dma_start3A_563] : memref<2x896xi32, #tpu.memory_space<vmem>> -> memref<1x896xi32, #tpu.memory_space<vmem>>
        %dma_start3A_565 = tpu.memref_squeeze %dma_start3A_564 : memref<1x896xi32, #tpu.memory_space<vmem>> -> memref<896xi32, #tpu.memory_space<vmem>>
        %dma_start3A_566 = arith.constant 0 : i32
        %dma_start3A_567 = tpu.memref_slice %arg2[%select_n3A_556, %dma_start3A_562, %sub3A_559, %dma_start3A_566] : memref<16x3x56x896xi32, #tpu.memory_space<hbm>> -> memref<1x1x1x896xi32, #tpu.memory_space<hbm>>
        %dma_start3A_568 = tpu.memref_squeeze %dma_start3A_567 : memref<1x1x1x896xi32, #tpu.memory_space<hbm>> -> memref<896xi32, #tpu.memory_space<hbm>>
        %dma_start3A_569 = arith.constant 0 : i32
        %dma_start3A_570 = tpu.memref_slice %arg7[%sub3A_561, %dma_start3A_569] : memref<2x896xi32, #tpu.memory_space<vmem>> -> memref<1x896xi32, #tpu.memory_space<vmem>>
        %dma_start3A_571 = tpu.memref_squeeze %dma_start3A_570 : memref<1x896xi32, #tpu.memory_space<vmem>> -> memref<896xi32, #tpu.memory_space<vmem>>
        %dma_start3A_572 = arith.constant 0 : i32
        %dma_start3A_573 = tpu.memref_slice %arg2[%select_n3A_556, %dma_start3A_562, %sub3A_559, %dma_start3A_572] : memref<16x3x56x896xi32, #tpu.memory_space<hbm>> -> memref<1x1x1x896xi32, #tpu.memory_space<hbm>>
        %dma_start3A_574 = tpu.memref_squeeze %dma_start3A_573 : memref<1x1x1x896xi32, #tpu.memory_space<hbm>> -> memref<896xi32, #tpu.memory_space<hbm>>
        tpu.enqueue_dma source(%dma_start3A_574 : memref<896xi32, #tpu.memory_space<hbm>>) target(%dma_start3A_571 : memref<896xi32, #tpu.memory_space<vmem>>) target_semaphore(%arg9 : memref<!tpu.dma_semaphore, #tpu.memory_space<semaphore_mem>>)
      } else {
      }
      %ge3A = arith.constant 2 : i32
      %ge3A_487 = arith.cmpi sge, %scan3A_437, %ge3A : i32
      %convert_element_type3A_488 = arith.extui %ge3A_487 : i1 to i32
      %cond3A_489 = arith.constant 0 : i32
      %cond3A_490 = arith.cmpi ne, %convert_element_type3A_488, %cond3A_489 : i32
      scf.if %cond3A_490 {
        %sub3A_528 = arith.constant 2 : i32
        %sub3A_529 = arith.subi %scan3A_437, %sub3A_528 : i32
        %mul3A_530 = arith.constant 28 : i32
        %mul3A_531 = arith.muli %add3A, %mul3A_530 : i32
        %add3A_532 = arith.addi %mul3A_531, %sub3A_529 : i32
        %jit3A_533 = arith.constant 56 : i32
        %div3A_534 = arith.divsi %add3A_532, %jit3A_533 : i32
        %sign3A_535 = arith.constant 0 : i32
        %sign3A_536 = arith.cmpi sgt, %add3A_532, %sign3A_535 : i32
        %sign3A_537 = arith.extui %sign3A_536 : i1 to i32
        %sign3A_538 = arith.constant 0 : i32
        %sign3A_539 = arith.cmpi slt, %add3A_532, %sign3A_538 : i32
        %sign3A_540 = arith.extui %sign3A_539 : i1 to i32
        %sign3A_541 = arith.subi %sign3A_537, %sign3A_540 : i32
        %sign3A_542 = arith.constant 0 : i32
        %sign3A_543 = arith.cmpi sgt, %jit3A_533, %sign3A_542 : i32
        %sign3A_544 = arith.extui %sign3A_543 : i1 to i32
        %sign3A_545 = arith.constant 0 : i32
        %sign3A_546 = arith.cmpi slt, %jit3A_533, %sign3A_545 : i32
        %sign3A_547 = arith.extui %sign3A_546 : i1 to i32
        %sign3A_548 = arith.subi %sign3A_544, %sign3A_547 : i32
        %ne3A_549 = arith.cmpi ne, %sign3A_541, %sign3A_548 : i32
        %rem3A_550 = arith.remsi %add3A_532, %jit3A_533 : i32
        %ne3A_551 = arith.constant 0 : i32
        %ne3A_552 = arith.cmpi ne, %rem3A_550, %ne3A_551 : i32
        %and3A_553 = arith.andi %ne3A_549, %ne3A_552 : i1
        %sub3A_554 = arith.constant 1 : i32
        %sub3A_555 = arith.subi %div3A_534, %sub3A_554 : i32
        %select_n3A_556 = arith.select %and3A_553, %sub3A_555, %div3A_534 : i32
        %mul3A_557 = arith.constant 56 : i32
        %mul3A_558 = arith.muli %select_n3A_556, %mul3A_557 : i32
        %sub3A_559 = arith.subi %add3A_532, %mul3A_558 : i32
        %dma_wait3A_560 = arith.constant 1 : i32
        %dma_wait3A_561 = arith.constant 0 : i32
        %dma_wait3A_562 = arith.constant 0 : i32
        %dma_wait3A_563 = tpu.memref_slice %arg8[%rem3A_439, %dma_wait3A_561, %dma_wait3A_562] : memref<2x896x16xf32, #tpu.memory_space<vmem>> -> memref<1x896x16xf32, #tpu.memory_space<vmem>>
        %dma_wait3A_564 = tpu.memref_squeeze %dma_wait3A_563 : memref<1x896x16xf32, #tpu.memory_space<vmem>> -> memref<896x16xf32, #tpu.memory_space<vmem>>
        %dma_wait3A_565 = arith.constant 0 : i32
        %dma_wait3A_566 = arith.constant 0 : i32
        %dma_wait3A_567 = tpu.memref_slice %arg6[%select_n3A_556, %dma_wait3A_560, %sub3A_559, %dma_wait3A_565, %dma_wait3A_566] : memref<16x3x56x896x16xf32, #tpu.memory_space<hbm>> -> memref<1x1x1x896x16xf32, #tpu.memory_space<hbm>>
        %dma_wait3A_568 = tpu.memref_squeeze %dma_wait3A_567 : memref<1x1x1x896x16xf32, #tpu.memory_space<hbm>> -> memref<896x16xf32, #tpu.memory_space<hbm>>
        %dma_wait3A_569 = arith.constant 0 : i32
        %dma_wait3A_570 = arith.constant 0 : i32
        %dma_wait3A_571 = tpu.memref_slice %arg6[%select_n3A_556, %dma_wait3A_560, %sub3A_559, %dma_wait3A_569, %dma_wait3A_570] : memref<16x3x56x896x16xf32, #tpu.memory_space<hbm>> -> memref<1x1x1x896x16xf32, #tpu.memory_space<hbm>>
        %dma_wait3A_572 = tpu.memref_squeeze %dma_wait3A_571 : memref<1x1x1x896x16xf32, #tpu.memory_space<hbm>> -> memref<896x16xf32, #tpu.memory_space<hbm>>
        %dma_wait3A_573 = arith.constant 0 : i32
        %dma_wait3A_574 = arith.constant 0 : i32
        %dma_wait3A_575 = tpu.memref_slice %arg8[%rem3A_439, %dma_wait3A_573, %dma_wait3A_574] : memref<2x896x16xf32, #tpu.memory_space<vmem>> -> memref<1x896x16xf32, #tpu.memory_space<vmem>>
        %dma_wait3A_576 = tpu.memref_squeeze %dma_wait3A_575 : memref<1x896x16xf32, #tpu.memory_space<vmem>> -> memref<896x16xf32, #tpu.memory_space<vmem>>
        tpu.wait_dma2 semaphore(%arg10 : memref<!tpu.dma_semaphore, #tpu.memory_space<semaphore_mem>>) src(%dma_wait3A_576 : memref<896x16xf32, #tpu.memory_space<vmem>>) dst(%dma_wait3A_572 : memref<896x16xf32, #tpu.memory_space<hbm>>)
      } else {
      }
      %dma_start3A_491 = arith.constant 0 : i32
      %dma_start3A_492 = arith.constant 0 : i32
      %dma_start3A_493 = tpu.memref_slice %arg8[%rem3A_439, %dma_start3A_491, %dma_start3A_492] : memref<2x896x16xf32, #tpu.memory_space<vmem>> -> memref<1x896x16xf32, #tpu.memory_space<vmem>>
      %dma_start3A_494 = tpu.memref_squeeze %dma_start3A_493 : memref<1x896x16xf32, #tpu.memory_space<vmem>> -> memref<896x16xf32, #tpu.memory_space<vmem>>
      %dma_start3A_495 = arith.constant 0 : i32
      %dma_start3A_496 = tpu.memref_slice %arg7[%rem3A_439, %dma_start3A_495] : memref<2x896xi32, #tpu.memory_space<vmem>> -> memref<1x896xi32, #tpu.memory_space<vmem>>
      %dma_start3A_497 = tpu.memref_squeeze %dma_start3A_496 : memref<1x896xi32, #tpu.memory_space<vmem>> -> memref<896xi32, #tpu.memory_space<vmem>>
      %dma_start3A_498 = arith.constant 0 : i32
      %dma_start3A_499 = arith.constant 0 : i32
      %dma_start3A_500 = tpu.memref_slice %arg4[%dma_start3A_498, %dma_start3A_499] : memref<100001x16xf32, #tpu.memory_space<hbm>> -> memref<100001x16xf32, #tpu.memory_space<hbm>>
      tpu.enqueue_indirect_dma source(%dma_start3A_500 : memref<100001x16xf32, #tpu.memory_space<hbm>>) target(%dma_start3A_494 : memref<896x16xf32, #tpu.memory_space<vmem>>) offsets(%dma_start3A_497 : memref<896xi32, #tpu.memory_space<vmem>>) semaphore(%arg11 : memref<!tpu.dma_semaphore, #tpu.memory_space<semaphore_mem>>)
      %dma_wait3A_501 = arith.constant 0 : i32
      %dma_wait3A_502 = arith.constant 0 : i32
      %dma_wait3A_503 = tpu.memref_slice %arg8[%rem3A_439, %dma_wait3A_501, %dma_wait3A_502] : memref<2x896x16xf32, #tpu.memory_space<vmem>> -> memref<1x896x16xf32, #tpu.memory_space<vmem>>
      %dma_wait3A_504 = tpu.memref_squeeze %dma_wait3A_503 : memref<1x896x16xf32, #tpu.memory_space<vmem>> -> memref<896x16xf32, #tpu.memory_space<vmem>>
      %dma_wait3A_505 = arith.constant 0 : i32
      %dma_wait3A_506 = tpu.memref_slice %arg7[%rem3A_439, %dma_wait3A_505] : memref<2x896xi32, #tpu.memory_space<vmem>> -> memref<1x896xi32, #tpu.memory_space<vmem>>
      %dma_wait3A_507 = tpu.memref_squeeze %dma_wait3A_506 : memref<1x896xi32, #tpu.memory_space<vmem>> -> memref<896xi32, #tpu.memory_space<vmem>>
      %dma_wait3A_508 = arith.constant 0 : i32
      %dma_wait3A_509 = arith.constant 0 : i32
      %dma_wait3A_510 = tpu.memref_slice %arg4[%dma_wait3A_508, %dma_wait3A_509] : memref<100001x16xf32, #tpu.memory_space<hbm>> -> memref<100001x16xf32, #tpu.memory_space<hbm>>
      tpu.wait_indirect_dma semaphore(%arg11 : memref<!tpu.dma_semaphore, #tpu.memory_space<semaphore_mem>>) src(%dma_wait3A_510 : memref<100001x16xf32, #tpu.memory_space<hbm>>) dst(%dma_wait3A_504 : memref<896x16xf32, #tpu.memory_space<vmem>>)
      %dma_start3A_511 = arith.constant 1 : i32
      %dma_start3A_512 = arith.constant 0 : i32
      %dma_start3A_513 = arith.constant 0 : i32
      %dma_start3A_514 = tpu.memref_slice %arg8[%rem3A_439, %dma_start3A_512, %dma_start3A_513] : memref<2x896x16xf32, #tpu.memory_space<vmem>> -> memref<1x896x16xf32, #tpu.memory_space<vmem>>
      %dma_start3A_515 = tpu.memref_squeeze %dma_start3A_514 : memref<1x896x16xf32, #tpu.memory_space<vmem>> -> memref<896x16xf32, #tpu.memory_space<vmem>>
      %dma_start3A_516 = arith.constant 0 : i32
      %dma_start3A_517 = arith.constant 0 : i32
      %dma_start3A_518 = tpu.memref_slice %arg6[%select_n3A_466, %dma_start3A_511, %sub3A_469, %dma_start3A_516, %dma_start3A_517] : memref<16x3x56x896x16xf32, #tpu.memory_space<hbm>> -> memref<1x1x1x896x16xf32, #tpu.memory_space<hbm>>
      %dma_start3A_519 = tpu.memref_squeeze %dma_start3A_518 : memref<1x1x1x896x16xf32, #tpu.memory_space<hbm>> -> memref<896x16xf32, #tpu.memory_space<hbm>>
      %dma_start3A_520 = arith.constant 0 : i32
      %dma_start3A_521 = arith.constant 0 : i32
      %dma_start3A_522 = tpu.memref_slice %arg6[%select_n3A_466, %dma_start3A_511, %sub3A_469, %dma_start3A_520, %dma_start3A_521] : memref<16x3x56x896x16xf32, #tpu.memory_space<hbm>> -> memref<1x1x1x896x16xf32, #tpu.memory_space<hbm>>
      %dma_start3A_523 = tpu.memref_squeeze %dma_start3A_522 : memref<1x1x1x896x16xf32, #tpu.memory_space<hbm>> -> memref<896x16xf32, #tpu.memory_space<hbm>>
      %dma_start3A_524 = arith.constant 0 : i32
      %dma_start3A_525 = arith.constant 0 : i32
      %dma_start3A_526 = tpu.memref_slice %arg8[%rem3A_439, %dma_start3A_524, %dma_start3A_525] : memref<2x896x16xf32, #tpu.memory_space<vmem>> -> memref<1x896x16xf32, #tpu.memory_space<vmem>>
      %dma_start3A_527 = tpu.memref_squeeze %dma_start3A_526 : memref<1x896x16xf32, #tpu.memory_space<vmem>> -> memref<896x16xf32, #tpu.memory_space<vmem>>
      tpu.enqueue_dma source(%dma_start3A_527 : memref<896x16xf32, #tpu.memory_space<vmem>>) target(%dma_start3A_523 : memref<896x16xf32, #tpu.memory_space<hbm>>) target_semaphore(%arg10 : memref<!tpu.dma_semaphore, #tpu.memory_space<semaphore_mem>>)
    }
    %scan3A_189 = arith.constant 28 : i32
    %mul3A_190 = arith.constant 28 : i32
    %mul3A_191 = arith.muli %add3A, %mul3A_190 : i32
    %add3A_192 = arith.constant 26 : i32
    %add3A_193 = arith.addi %mul3A_191, %add3A_192 : i32
    %jit3A_194 = arith.constant 56 : i32
    %div3A_195 = arith.divsi %add3A_193, %jit3A_194 : i32
    %sign3A_196 = arith.constant 0 : i32
    %sign3A_197 = arith.cmpi sgt, %add3A_193, %sign3A_196 : i32
    %sign3A_198 = arith.extui %sign3A_197 : i1 to i32
    %sign3A_199 = arith.constant 0 : i32
    %sign3A_200 = arith.cmpi slt, %add3A_193, %sign3A_199 : i32
    %sign3A_201 = arith.extui %sign3A_200 : i1 to i32
    %sign3A_202 = arith.subi %sign3A_198, %sign3A_201 : i32
    %sign3A_203 = arith.constant 0 : i32
    %sign3A_204 = arith.cmpi sgt, %jit3A_194, %sign3A_203 : i32
    %sign3A_205 = arith.extui %sign3A_204 : i1 to i32
    %sign3A_206 = arith.constant 0 : i32
    %sign3A_207 = arith.cmpi slt, %jit3A_194, %sign3A_206 : i32
    %sign3A_208 = arith.extui %sign3A_207 : i1 to i32
    %sign3A_209 = arith.subi %sign3A_205, %sign3A_208 : i32
    %ne3A_210 = arith.cmpi ne, %sign3A_202, %sign3A_209 : i32
    %rem3A_211 = arith.remsi %add3A_193, %jit3A_194 : i32
    %ne3A_212 = arith.constant 0 : i32
    %ne3A_213 = arith.cmpi ne, %rem3A_211, %ne3A_212 : i32
    %and3A_214 = arith.andi %ne3A_210, %ne3A_213 : i1
    %sub3A_215 = arith.constant 1 : i32
    %sub3A_216 = arith.subi %div3A_195, %sub3A_215 : i32
    %select_n3A_217 = arith.select %and3A_214, %sub3A_216, %div3A_195 : i32
    %mul3A_218 = arith.constant 56 : i32
    %mul3A_219 = arith.muli %select_n3A_217, %mul3A_218 : i32
    %sub3A_220 = arith.subi %add3A_193, %mul3A_219 : i32
    %dma_wait3A_221 = arith.constant 0 : i32
    %dma_wait3A_222 = arith.constant 1 : i32
    %dma_wait3A_223 = arith.constant 0 : i32
    %dma_wait3A_224 = arith.constant 0 : i32
    %dma_wait3A_225 = tpu.memref_slice %arg8[%dma_wait3A_221, %dma_wait3A_223, %dma_wait3A_224] : memref<2x896x16xf32, #tpu.memory_space<vmem>> -> memref<1x896x16xf32, #tpu.memory_space<vmem>>
    %dma_wait3A_226 = tpu.memref_squeeze %dma_wait3A_225 : memref<1x896x16xf32, #tpu.memory_space<vmem>> -> memref<896x16xf32, #tpu.memory_space<vmem>>
    %dma_wait3A_227 = arith.constant 0 : i32
    %dma_wait3A_228 = arith.constant 0 : i32
    %dma_wait3A_229 = tpu.memref_slice %arg6[%select_n3A_217, %dma_wait3A_222, %sub3A_220, %dma_wait3A_227, %dma_wait3A_228] : memref<16x3x56x896x16xf32, #tpu.memory_space<hbm>> -> memref<1x1x1x896x16xf32, #tpu.memory_space<hbm>>
    %dma_wait3A_230 = tpu.memref_squeeze %dma_wait3A_229 : memref<1x1x1x896x16xf32, #tpu.memory_space<hbm>> -> memref<896x16xf32, #tpu.memory_space<hbm>>
    %dma_wait3A_231 = arith.constant 0 : i32
    %dma_wait3A_232 = arith.constant 0 : i32
    %dma_wait3A_233 = tpu.memref_slice %arg6[%select_n3A_217, %dma_wait3A_222, %sub3A_220, %dma_wait3A_231, %dma_wait3A_232] : memref<16x3x56x896x16xf32, #tpu.memory_space<hbm>> -> memref<1x1x1x896x16xf32, #tpu.memory_space<hbm>>
    %dma_wait3A_234 = tpu.memref_squeeze %dma_wait3A_233 : memref<1x1x1x896x16xf32, #tpu.memory_space<hbm>> -> memref<896x16xf32, #tpu.memory_space<hbm>>
    %dma_wait3A_235 = arith.constant 0 : i32
    %dma_wait3A_236 = arith.constant 0 : i32
    %dma_wait3A_237 = tpu.memref_slice %arg8[%dma_wait3A_221, %dma_wait3A_235, %dma_wait3A_236] : memref<2x896x16xf32, #tpu.memory_space<vmem>> -> memref<1x896x16xf32, #tpu.memory_space<vmem>>
    %dma_wait3A_238 = tpu.memref_squeeze %dma_wait3A_237 : memref<1x896x16xf32, #tpu.memory_space<vmem>> -> memref<896x16xf32, #tpu.memory_space<vmem>>
    tpu.wait_dma2 semaphore(%arg10 : memref<!tpu.dma_semaphore, #tpu.memory_space<semaphore_mem>>) src(%dma_wait3A_238 : memref<896x16xf32, #tpu.memory_space<vmem>>) dst(%dma_wait3A_234 : memref<896x16xf32, #tpu.memory_space<hbm>>)
    %mul3A_239 = arith.constant 28 : i32
    %mul3A_240 = arith.muli %add3A, %mul3A_239 : i32
    %add3A_241 = arith.constant 27 : i32
    %add3A_242 = arith.addi %mul3A_240, %add3A_241 : i32
    %jit3A_243 = arith.constant 56 : i32
    %div3A_244 = arith.divsi %add3A_242, %jit3A_243 : i32
    %sign3A_245 = arith.constant 0 : i32
    %sign3A_246 = arith.cmpi sgt, %add3A_242, %sign3A_245 : i32
    %sign3A_247 = arith.extui %sign3A_246 : i1 to i32
    %sign3A_248 = arith.constant 0 : i32
    %sign3A_249 = arith.cmpi slt, %add3A_242, %sign3A_248 : i32
    %sign3A_250 = arith.extui %sign3A_249 : i1 to i32
    %sign3A_251 = arith.subi %sign3A_247, %sign3A_250 : i32
    %sign3A_252 = arith.constant 0 : i32
    %sign3A_253 = arith.cmpi sgt, %jit3A_243, %sign3A_252 : i32
    %sign3A_254 = arith.extui %sign3A_253 : i1 to i32
    %sign3A_255 = arith.constant 0 : i32
    %sign3A_256 = arith.cmpi slt, %jit3A_243, %sign3A_255 : i32
    %sign3A_257 = arith.extui %sign3A_256 : i1 to i32
    %sign3A_258 = arith.subi %sign3A_254, %sign3A_257 : i32
    %ne3A_259 = arith.cmpi ne, %sign3A_251, %sign3A_258 : i32
    %rem3A_260 = arith.remsi %add3A_242, %jit3A_243 : i32
    %ne3A_261 = arith.constant 0 : i32
    %ne3A_262 = arith.cmpi ne, %rem3A_260, %ne3A_261 : i32
    %and3A_263 = arith.andi %ne3A_259, %ne3A_262 : i1
    %sub3A_264 = arith.constant 1 : i32
    %sub3A_265 = arith.subi %div3A_244, %sub3A_264 : i32
    %select_n3A_266 = arith.select %and3A_263, %sub3A_265, %div3A_244 : i32
    %mul3A_267 = arith.constant 56 : i32
    %mul3A_268 = arith.muli %select_n3A_266, %mul3A_267 : i32
    %sub3A_269 = arith.subi %add3A_242, %mul3A_268 : i32
    %dma_wait3A_270 = arith.constant 1 : i32
    %dma_wait3A_271 = arith.constant 1 : i32
    %dma_wait3A_272 = arith.constant 0 : i32
    %dma_wait3A_273 = arith.constant 0 : i32
    %dma_wait3A_274 = tpu.memref_slice %arg8[%dma_wait3A_270, %dma_wait3A_272, %dma_wait3A_273] : memref<2x896x16xf32, #tpu.memory_space<vmem>> -> memref<1x896x16xf32, #tpu.memory_space<vmem>>
    %dma_wait3A_275 = tpu.memref_squeeze %dma_wait3A_274 : memref<1x896x16xf32, #tpu.memory_space<vmem>> -> memref<896x16xf32, #tpu.memory_space<vmem>>
    %dma_wait3A_276 = arith.constant 0 : i32
    %dma_wait3A_277 = arith.constant 0 : i32
    %dma_wait3A_278 = tpu.memref_slice %arg6[%select_n3A_266, %dma_wait3A_271, %sub3A_269, %dma_wait3A_276, %dma_wait3A_277] : memref<16x3x56x896x16xf32, #tpu.memory_space<hbm>> -> memref<1x1x1x896x16xf32, #tpu.memory_space<hbm>>
    %dma_wait3A_279 = tpu.memref_squeeze %dma_wait3A_278 : memref<1x1x1x896x16xf32, #tpu.memory_space<hbm>> -> memref<896x16xf32, #tpu.memory_space<hbm>>
    %dma_wait3A_280 = arith.constant 0 : i32
    %dma_wait3A_281 = arith.constant 0 : i32
    %dma_wait3A_282 = tpu.memref_slice %arg6[%select_n3A_266, %dma_wait3A_271, %sub3A_269, %dma_wait3A_280, %dma_wait3A_281] : memref<16x3x56x896x16xf32, #tpu.memory_space<hbm>> -> memref<1x1x1x896x16xf32, #tpu.memory_space<hbm>>
    %dma_wait3A_283 = tpu.memref_squeeze %dma_wait3A_282 : memref<1x1x1x896x16xf32, #tpu.memory_space<hbm>> -> memref<896x16xf32, #tpu.memory_space<hbm>>
    %dma_wait3A_284 = arith.constant 0 : i32
    %dma_wait3A_285 = arith.constant 0 : i32
    %dma_wait3A_286 = tpu.memref_slice %arg8[%dma_wait3A_270, %dma_wait3A_284, %dma_wait3A_285] : memref<2x896x16xf32, #tpu.memory_space<vmem>> -> memref<1x896x16xf32, #tpu.memory_space<vmem>>
    %dma_wait3A_287 = tpu.memref_squeeze %dma_wait3A_286 : memref<1x896x16xf32, #tpu.memory_space<vmem>> -> memref<896x16xf32, #tpu.memory_space<vmem>>
    tpu.wait_dma2 semaphore(%arg10 : memref<!tpu.dma_semaphore, #tpu.memory_space<semaphore_mem>>) src(%dma_wait3A_287 : memref<896x16xf32, #tpu.memory_space<vmem>>) dst(%dma_wait3A_283 : memref<896x16xf32, #tpu.memory_space<hbm>>)
    %mul3A_288 = arith.constant 28 : i32
    %mul3A_289 = arith.muli %add3A, %mul3A_288 : i32
    %add3A_290 = arith.constant 0 : i32
    %add3A_291 = arith.addi %mul3A_289, %add3A_290 : i32
    %jit3A_292 = arith.constant 56 : i32
    %div3A_293 = arith.divsi %add3A_291, %jit3A_292 : i32
    %sign3A_294 = arith.constant 0 : i32
    %sign3A_295 = arith.cmpi sgt, %add3A_291, %sign3A_294 : i32
    %sign3A_296 = arith.extui %sign3A_295 : i1 to i32
    %sign3A_297 = arith.constant 0 : i32
    %sign3A_298 = arith.cmpi slt, %add3A_291, %sign3A_297 : i32
    %sign3A_299 = arith.extui %sign3A_298 : i1 to i32
    %sign3A_300 = arith.subi %sign3A_296, %sign3A_299 : i32
    %sign3A_301 = arith.constant 0 : i32
    %sign3A_302 = arith.cmpi sgt, %jit3A_292, %sign3A_301 : i32
    %sign3A_303 = arith.extui %sign3A_302 : i1 to i32
    %sign3A_304 = arith.constant 0 : i32
    %sign3A_305 = arith.cmpi slt, %jit3A_292, %sign3A_304 : i32
    %sign3A_306 = arith.extui %sign3A_305 : i1 to i32
    %sign3A_307 = arith.subi %sign3A_303, %sign3A_306 : i32
    %ne3A_308 = arith.cmpi ne, %sign3A_300, %sign3A_307 : i32
    %rem3A_309 = arith.remsi %add3A_291, %jit3A_292 : i32
    %ne3A_310 = arith.constant 0 : i32
    %ne3A_311 = arith.cmpi ne, %rem3A_309, %ne3A_310 : i32
    %and3A_312 = arith.andi %ne3A_308, %ne3A_311 : i1
    %sub3A_313 = arith.constant 1 : i32
    %sub3A_314 = arith.subi %div3A_293, %sub3A_313 : i32
    %select_n3A_315 = arith.select %and3A_312, %sub3A_314, %div3A_293 : i32
    %mul3A_316 = arith.constant 56 : i32
    %mul3A_317 = arith.muli %select_n3A_315, %mul3A_316 : i32
    %sub3A_318 = arith.subi %add3A_291, %mul3A_317 : i32
    %dma_start3A_319 = arith.constant 2 : i32
    %dma_start3A_320 = arith.constant 0 : i32
    %dma_start3A_321 = arith.constant 0 : i32
    %dma_start3A_322 = tpu.memref_slice %arg7[%dma_start3A_320, %dma_start3A_321] : memref<2x896xi32, #tpu.memory_space<vmem>> -> memref<1x896xi32, #tpu.memory_space<vmem>>
    %dma_start3A_323 = tpu.memref_squeeze %dma_start3A_322 : memref<1x896xi32, #tpu.memory_space<vmem>> -> memref<896xi32, #tpu.memory_space<vmem>>
    %dma_start3A_324 = arith.constant 0 : i32
    %dma_start3A_325 = tpu.memref_slice %arg2[%select_n3A_315, %dma_start3A_319, %sub3A_318, %dma_start3A_324] : memref<16x3x56x896xi32, #tpu.memory_space<hbm>> -> memref<1x1x1x896xi32, #tpu.memory_space<hbm>>
    %dma_start3A_326 = tpu.memref_squeeze %dma_start3A_325 : memref<1x1x1x896xi32, #tpu.memory_space<hbm>> -> memref<896xi32, #tpu.memory_space<hbm>>
    %dma_start3A_327 = arith.constant 0 : i32
    %dma_start3A_328 = tpu.memref_slice %arg7[%dma_start3A_320, %dma_start3A_327] : memref<2x896xi32, #tpu.memory_space<vmem>> -> memref<1x896xi32, #tpu.memory_space<vmem>>
    %dma_start3A_329 = tpu.memref_squeeze %dma_start3A_328 : memref<1x896xi32, #tpu.memory_space<vmem>> -> memref<896xi32, #tpu.memory_space<vmem>>
    %dma_start3A_330 = arith.constant 0 : i32
    %dma_start3A_331 = tpu.memref_slice %arg2[%select_n3A_315, %dma_start3A_319, %sub3A_318, %dma_start3A_330] : memref<16x3x56x896xi32, #tpu.memory_space<hbm>> -> memref<1x1x1x896xi32, #tpu.memory_space<hbm>>
    %dma_start3A_332 = tpu.memref_squeeze %dma_start3A_331 : memref<1x1x1x896xi32, #tpu.memory_space<hbm>> -> memref<896xi32, #tpu.memory_space<hbm>>
    tpu.enqueue_dma source(%dma_start3A_332 : memref<896xi32, #tpu.memory_space<hbm>>) target(%dma_start3A_329 : memref<896xi32, #tpu.memory_space<vmem>>) target_semaphore(%arg9 : memref<!tpu.dma_semaphore, #tpu.memory_space<semaphore_mem>>)
    %scan3A_333 = arith.constant 0 : i32
    %scan3A_334 = arith.constant 0 : i32
    %scan3A_335 = arith.constant 28 : i32
    %scan3A_336 = arith.addi %scan3A_334, %scan3A_335 : i32
    %scan3A_337 = arith.constant 1 : i32
    scf.for %scan3A_437 = %scan3A_334 to %scan3A_336 step %scan3A_337  : i32 {
      %rem3A_438 = arith.constant 2 : i32
      %rem3A_439 = arith.remsi %scan3A_437, %rem3A_438 : i32
      %mul3A_440 = arith.constant 28 : i32
      %mul3A_441 = arith.muli %add3A, %mul3A_440 : i32
      %add3A_442 = arith.addi %mul3A_441, %scan3A_437 : i32
      %jit3A_443 = arith.constant 56 : i32
      %div3A_444 = arith.divsi %add3A_442, %jit3A_443 : i32
      %sign3A_445 = arith.constant 0 : i32
      %sign3A_446 = arith.cmpi sgt, %add3A_442, %sign3A_445 : i32
      %sign3A_447 = arith.extui %sign3A_446 : i1 to i32
      %sign3A_448 = arith.constant 0 : i32
      %sign3A_449 = arith.cmpi slt, %add3A_442, %sign3A_448 : i32
      %sign3A_450 = arith.extui %sign3A_449 : i1 to i32
      %sign3A_451 = arith.subi %sign3A_447, %sign3A_450 : i32
      %sign3A_452 = arith.constant 0 : i32
      %sign3A_453 = arith.cmpi sgt, %jit3A_443, %sign3A_452 : i32
      %sign3A_454 = arith.extui %sign3A_453 : i1 to i32
      %sign3A_455 = arith.constant 0 : i32
      %sign3A_456 = arith.cmpi slt, %jit3A_443, %sign3A_455 : i32
      %sign3A_457 = arith.extui %sign3A_456 : i1 to i32
      %sign3A_458 = arith.subi %sign3A_454, %sign3A_457 : i32
      %ne3A_459 = arith.cmpi ne, %sign3A_451, %sign3A_458 : i32
      %rem3A_460 = arith.remsi %add3A_442, %jit3A_443 : i32
      %ne3A_461 = arith.constant 0 : i32
      %ne3A_462 = arith.cmpi ne, %rem3A_460, %ne3A_461 : i32
      %and3A_463 = arith.andi %ne3A_459, %ne3A_462 : i1
      %sub3A_464 = arith.constant 1 : i32
      %sub3A_465 = arith.subi %div3A_444, %sub3A_464 : i32
      %select_n3A_466 = arith.select %and3A_463, %sub3A_465, %div3A_444 : i32
      %mul3A_467 = arith.constant 56 : i32
      %mul3A_468 = arith.muli %select_n3A_466, %mul3A_467 : i32
      %sub3A_469 = arith.subi %add3A_442, %mul3A_468 : i32
      %dma_wait3A_470 = arith.constant 2 : i32
      %dma_wait3A_471 = arith.constant 0 : i32
      %dma_wait3A_472 = tpu.memref_slice %arg7[%rem3A_439, %dma_wait3A_471] : memref<2x896xi32, #tpu.memory_space<vmem>> -> memref<1x896xi32, #tpu.memory_space<vmem>>
      %dma_wait3A_473 = tpu.memref_squeeze %dma_wait3A_472 : memref<1x896xi32, #tpu.memory_space<vmem>> -> memref<896xi32, #tpu.memory_space<vmem>>
      %dma_wait3A_474 = arith.constant 0 : i32
      %dma_wait3A_475 = tpu.memref_slice %arg2[%select_n3A_466, %dma_wait3A_470, %sub3A_469, %dma_wait3A_474] : memref<16x3x56x896xi32, #tpu.memory_space<hbm>> -> memref<1x1x1x896xi32, #tpu.memory_space<hbm>>
      %dma_wait3A_476 = tpu.memref_squeeze %dma_wait3A_475 : memref<1x1x1x896xi32, #tpu.memory_space<hbm>> -> memref<896xi32, #tpu.memory_space<hbm>>
      %dma_wait3A_477 = arith.constant 0 : i32
      %dma_wait3A_478 = tpu.memref_slice %arg7[%rem3A_439, %dma_wait3A_477] : memref<2x896xi32, #tpu.memory_space<vmem>> -> memref<1x896xi32, #tpu.memory_space<vmem>>
      %dma_wait3A_479 = tpu.memref_squeeze %dma_wait3A_478 : memref<1x896xi32, #tpu.memory_space<vmem>> -> memref<896xi32, #tpu.memory_space<vmem>>
      %dma_wait3A_480 = arith.constant 0 : i32
      %dma_wait3A_481 = tpu.memref_slice %arg2[%select_n3A_466, %dma_wait3A_470, %sub3A_469, %dma_wait3A_480] : memref<16x3x56x896xi32, #tpu.memory_space<hbm>> -> memref<1x1x1x896xi32, #tpu.memory_space<hbm>>
      %dma_wait3A_482 = tpu.memref_squeeze %dma_wait3A_481 : memref<1x1x1x896xi32, #tpu.memory_space<hbm>> -> memref<896xi32, #tpu.memory_space<hbm>>
      tpu.wait_dma2 semaphore(%arg9 : memref<!tpu.dma_semaphore, #tpu.memory_space<semaphore_mem>>) src(%dma_wait3A_482 : memref<896xi32, #tpu.memory_space<hbm>>) dst(%dma_wait3A_479 : memref<896xi32, #tpu.memory_space<vmem>>)
      %add3A_483 = arith.constant 1 : i32
      %add3A_484 = arith.addi %scan3A_437, %add3A_483 : i32
      %lt3A = arith.constant 28 : i32
      %lt3A_485 = arith.cmpi slt, %add3A_484, %lt3A : i32
      %convert_element_type3A = arith.extui %lt3A_485 : i1 to i32
      %cond3A = arith.constant 0 : i32
      %cond3A_486 = arith.cmpi ne, %convert_element_type3A, %cond3A : i32
      scf.if %cond3A_486 {
        %add3A_528 = arith.constant 1 : i32
        %add3A_529 = arith.addi %scan3A_437, %add3A_528 : i32
        %mul3A_530 = arith.constant 28 : i32
        %mul3A_531 = arith.muli %add3A, %mul3A_530 : i32
        %add3A_532 = arith.addi %mul3A_531, %add3A_529 : i32
        %jit3A_533 = arith.constant 56 : i32
        %div3A_534 = arith.divsi %add3A_532, %jit3A_533 : i32
        %sign3A_535 = arith.constant 0 : i32
        %sign3A_536 = arith.cmpi sgt, %add3A_532, %sign3A_535 : i32
        %sign3A_537 = arith.extui %sign3A_536 : i1 to i32
        %sign3A_538 = arith.constant 0 : i32
        %sign3A_539 = arith.cmpi slt, %add3A_532, %sign3A_538 : i32
        %sign3A_540 = arith.extui %sign3A_539 : i1 to i32
        %sign3A_541 = arith.subi %sign3A_537, %sign3A_540 : i32
        %sign3A_542 = arith.constant 0 : i32
        %sign3A_543 = arith.cmpi sgt, %jit3A_533, %sign3A_542 : i32
        %sign3A_544 = arith.extui %sign3A_543 : i1 to i32
        %sign3A_545 = arith.constant 0 : i32
        %sign3A_546 = arith.cmpi slt, %jit3A_533, %sign3A_545 : i32
        %sign3A_547 = arith.extui %sign3A_546 : i1 to i32
        %sign3A_548 = arith.subi %sign3A_544, %sign3A_547 : i32
        %ne3A_549 = arith.cmpi ne, %sign3A_541, %sign3A_548 : i32
        %rem3A_550 = arith.remsi %add3A_532, %jit3A_533 : i32
        %ne3A_551 = arith.constant 0 : i32
        %ne3A_552 = arith.cmpi ne, %rem3A_550, %ne3A_551 : i32
        %and3A_553 = arith.andi %ne3A_549, %ne3A_552 : i1
        %sub3A_554 = arith.constant 1 : i32
        %sub3A_555 = arith.subi %div3A_534, %sub3A_554 : i32
        %select_n3A_556 = arith.select %and3A_553, %sub3A_555, %div3A_534 : i32
        %mul3A_557 = arith.constant 56 : i32
        %mul3A_558 = arith.muli %select_n3A_556, %mul3A_557 : i32
        %sub3A_559 = arith.subi %add3A_532, %mul3A_558 : i32
        %sub3A_560 = arith.constant 1 : i32
        %sub3A_561 = arith.subi %sub3A_560, %rem3A_439 : i32
        %dma_start3A_562 = arith.constant 2 : i32
        %dma_start3A_563 = arith.constant 0 : i32
        %dma_start3A_564 = tpu.memref_slice %arg7[%sub3A_561, %dma_start3A_563] : memref<2x896xi32, #tpu.memory_space<vmem>> -> memref<1x896xi32, #tpu.memory_space<vmem>>
        %dma_start3A_565 = tpu.memref_squeeze %dma_start3A_564 : memref<1x896xi32, #tpu.memory_space<vmem>> -> memref<896xi32, #tpu.memory_space<vmem>>
        %dma_start3A_566 = arith.constant 0 : i32
        %dma_start3A_567 = tpu.memref_slice %arg2[%select_n3A_556, %dma_start3A_562, %sub3A_559, %dma_start3A_566] : memref<16x3x56x896xi32, #tpu.memory_space<hbm>> -> memref<1x1x1x896xi32, #tpu.memory_space<hbm>>
        %dma_start3A_568 = tpu.memref_squeeze %dma_start3A_567 : memref<1x1x1x896xi32, #tpu.memory_space<hbm>> -> memref<896xi32, #tpu.memory_space<hbm>>
        %dma_start3A_569 = arith.constant 0 : i32
        %dma_start3A_570 = tpu.memref_slice %arg7[%sub3A_561, %dma_start3A_569] : memref<2x896xi32, #tpu.memory_space<vmem>> -> memref<1x896xi32, #tpu.memory_space<vmem>>
        %dma_start3A_571 = tpu.memref_squeeze %dma_start3A_570 : memref<1x896xi32, #tpu.memory_space<vmem>> -> memref<896xi32, #tpu.memory_space<vmem>>
        %dma_start3A_572 = arith.constant 0 : i32
        %dma_start3A_573 = tpu.memref_slice %arg2[%select_n3A_556, %dma_start3A_562, %sub3A_559, %dma_start3A_572] : memref<16x3x56x896xi32, #tpu.memory_space<hbm>> -> memref<1x1x1x896xi32, #tpu.memory_space<hbm>>
        %dma_start3A_574 = tpu.memref_squeeze %dma_start3A_573 : memref<1x1x1x896xi32, #tpu.memory_space<hbm>> -> memref<896xi32, #tpu.memory_space<hbm>>
        tpu.enqueue_dma source(%dma_start3A_574 : memref<896xi32, #tpu.memory_space<hbm>>) target(%dma_start3A_571 : memref<896xi32, #tpu.memory_space<vmem>>) target_semaphore(%arg9 : memref<!tpu.dma_semaphore, #tpu.memory_space<semaphore_mem>>)
      } else {
      }
      %ge3A = arith.constant 2 : i32
      %ge3A_487 = arith.cmpi sge, %scan3A_437, %ge3A : i32
      %convert_element_type3A_488 = arith.extui %ge3A_487 : i1 to i32
      %cond3A_489 = arith.constant 0 : i32
      %cond3A_490 = arith.cmpi ne, %convert_element_type3A_488, %cond3A_489 : i32
      scf.if %cond3A_490 {
        %sub3A_528 = arith.constant 2 : i32
        %sub3A_529 = arith.subi %scan3A_437, %sub3A_528 : i32
        %mul3A_530 = arith.constant 28 : i32
        %mul3A_531 = arith.muli %add3A, %mul3A_530 : i32
        %add3A_532 = arith.addi %mul3A_531, %sub3A_529 : i32
        %jit3A_533 = arith.constant 56 : i32
        %div3A_534 = arith.divsi %add3A_532, %jit3A_533 : i32
        %sign3A_535 = arith.constant 0 : i32
        %sign3A_536 = arith.cmpi sgt, %add3A_532, %sign3A_535 : i32
        %sign3A_537 = arith.extui %sign3A_536 : i1 to i32
        %sign3A_538 = arith.constant 0 : i32
        %sign3A_539 = arith.cmpi slt, %add3A_532, %sign3A_538 : i32
        %sign3A_540 = arith.extui %sign3A_539 : i1 to i32
        %sign3A_541 = arith.subi %sign3A_537, %sign3A_540 : i32
        %sign3A_542 = arith.constant 0 : i32
        %sign3A_543 = arith.cmpi sgt, %jit3A_533, %sign3A_542 : i32
        %sign3A_544 = arith.extui %sign3A_543 : i1 to i32
        %sign3A_545 = arith.constant 0 : i32
        %sign3A_546 = arith.cmpi slt, %jit3A_533, %sign3A_545 : i32
        %sign3A_547 = arith.extui %sign3A_546 : i1 to i32
        %sign3A_548 = arith.subi %sign3A_544, %sign3A_547 : i32
        %ne3A_549 = arith.cmpi ne, %sign3A_541, %sign3A_548 : i32
        %rem3A_550 = arith.remsi %add3A_532, %jit3A_533 : i32
        %ne3A_551 = arith.constant 0 : i32
        %ne3A_552 = arith.cmpi ne, %rem3A_550, %ne3A_551 : i32
        %and3A_553 = arith.andi %ne3A_549, %ne3A_552 : i1
        %sub3A_554 = arith.constant 1 : i32
        %sub3A_555 = arith.subi %div3A_534, %sub3A_554 : i32
        %select_n3A_556 = arith.select %and3A_553, %sub3A_555, %div3A_534 : i32
        %mul3A_557 = arith.constant 56 : i32
        %mul3A_558 = arith.muli %select_n3A_556, %mul3A_557 : i32
        %sub3A_559 = arith.subi %add3A_532, %mul3A_558 : i32
        %dma_wait3A_560 = arith.constant 2 : i32
        %dma_wait3A_561 = arith.constant 0 : i32
        %dma_wait3A_562 = arith.constant 0 : i32
        %dma_wait3A_563 = tpu.memref_slice %arg8[%rem3A_439, %dma_wait3A_561, %dma_wait3A_562] : memref<2x896x16xf32, #tpu.memory_space<vmem>> -> memref<1x896x16xf32, #tpu.memory_space<vmem>>
        %dma_wait3A_564 = tpu.memref_squeeze %dma_wait3A_563 : memref<1x896x16xf32, #tpu.memory_space<vmem>> -> memref<896x16xf32, #tpu.memory_space<vmem>>
        %dma_wait3A_565 = arith.constant 0 : i32
        %dma_wait3A_566 = arith.constant 0 : i32
        %dma_wait3A_567 = tpu.memref_slice %arg6[%select_n3A_556, %dma_wait3A_560, %sub3A_559, %dma_wait3A_565, %dma_wait3A_566] : memref<16x3x56x896x16xf32, #tpu.memory_space<hbm>> -> memref<1x1x1x896x16xf32, #tpu.memory_space<hbm>>
        %dma_wait3A_568 = tpu.memref_squeeze %dma_wait3A_567 : memref<1x1x1x896x16xf32, #tpu.memory_space<hbm>> -> memref<896x16xf32, #tpu.memory_space<hbm>>
        %dma_wait3A_569 = arith.constant 0 : i32
        %dma_wait3A_570 = arith.constant 0 : i32
        %dma_wait3A_571 = tpu.memref_slice %arg6[%select_n3A_556, %dma_wait3A_560, %sub3A_559, %dma_wait3A_569, %dma_wait3A_570] : memref<16x3x56x896x16xf32, #tpu.memory_space<hbm>> -> memref<1x1x1x896x16xf32, #tpu.memory_space<hbm>>
        %dma_wait3A_572 = tpu.memref_squeeze %dma_wait3A_571 : memref<1x1x1x896x16xf32, #tpu.memory_space<hbm>> -> memref<896x16xf32, #tpu.memory_space<hbm>>
        %dma_wait3A_573 = arith.constant 0 : i32
        %dma_wait3A_574 = arith.constant 0 : i32
        %dma_wait3A_575 = tpu.memref_slice %arg8[%rem3A_439, %dma_wait3A_573, %dma_wait3A_574] : memref<2x896x16xf32, #tpu.memory_space<vmem>> -> memref<1x896x16xf32, #tpu.memory_space<vmem>>
        %dma_wait3A_576 = tpu.memref_squeeze %dma_wait3A_575 : memref<1x896x16xf32, #tpu.memory_space<vmem>> -> memref<896x16xf32, #tpu.memory_space<vmem>>
        tpu.wait_dma2 semaphore(%arg10 : memref<!tpu.dma_semaphore, #tpu.memory_space<semaphore_mem>>) src(%dma_wait3A_576 : memref<896x16xf32, #tpu.memory_space<vmem>>) dst(%dma_wait3A_572 : memref<896x16xf32, #tpu.memory_space<hbm>>)
      } else {
      }
      %dma_start3A_491 = arith.constant 0 : i32
      %dma_start3A_492 = arith.constant 0 : i32
      %dma_start3A_493 = tpu.memref_slice %arg8[%rem3A_439, %dma_start3A_491, %dma_start3A_492] : memref<2x896x16xf32, #tpu.memory_space<vmem>> -> memref<1x896x16xf32, #tpu.memory_space<vmem>>
      %dma_start3A_494 = tpu.memref_squeeze %dma_start3A_493 : memref<1x896x16xf32, #tpu.memory_space<vmem>> -> memref<896x16xf32, #tpu.memory_space<vmem>>
      %dma_start3A_495 = arith.constant 0 : i32
      %dma_start3A_496 = tpu.memref_slice %arg7[%rem3A_439, %dma_start3A_495] : memref<2x896xi32, #tpu.memory_space<vmem>> -> memref<1x896xi32, #tpu.memory_space<vmem>>
      %dma_start3A_497 = tpu.memref_squeeze %dma_start3A_496 : memref<1x896xi32, #tpu.memory_space<vmem>> -> memref<896xi32, #tpu.memory_space<vmem>>
      %dma_start3A_498 = arith.constant 0 : i32
      %dma_start3A_499 = arith.constant 0 : i32
      %dma_start3A_500 = tpu.memref_slice %arg5[%dma_start3A_498, %dma_start3A_499] : memref<100001x16xf32, #tpu.memory_space<hbm>> -> memref<100001x16xf32, #tpu.memory_space<hbm>>
      tpu.enqueue_indirect_dma source(%dma_start3A_500 : memref<100001x16xf32, #tpu.memory_space<hbm>>) target(%dma_start3A_494 : memref<896x16xf32, #tpu.memory_space<vmem>>) offsets(%dma_start3A_497 : memref<896xi32, #tpu.memory_space<vmem>>) semaphore(%arg11 : memref<!tpu.dma_semaphore, #tpu.memory_space<semaphore_mem>>)
      %dma_wait3A_501 = arith.constant 0 : i32
      %dma_wait3A_502 = arith.constant 0 : i32
      %dma_wait3A_503 = tpu.memref_slice %arg8[%rem3A_439, %dma_wait3A_501, %dma_wait3A_502] : memref<2x896x16xf32, #tpu.memory_space<vmem>> -> memref<1x896x16xf32, #tpu.memory_space<vmem>>
      %dma_wait3A_504 = tpu.memref_squeeze %dma_wait3A_503 : memref<1x896x16xf32, #tpu.memory_space<vmem>> -> memref<896x16xf32, #tpu.memory_space<vmem>>
      %dma_wait3A_505 = arith.constant 0 : i32
      %dma_wait3A_506 = tpu.memref_slice %arg7[%rem3A_439, %dma_wait3A_505] : memref<2x896xi32, #tpu.memory_space<vmem>> -> memref<1x896xi32, #tpu.memory_space<vmem>>
      %dma_wait3A_507 = tpu.memref_squeeze %dma_wait3A_506 : memref<1x896xi32, #tpu.memory_space<vmem>> -> memref<896xi32, #tpu.memory_space<vmem>>
      %dma_wait3A_508 = arith.constant 0 : i32
      %dma_wait3A_509 = arith.constant 0 : i32
      %dma_wait3A_510 = tpu.memref_slice %arg5[%dma_wait3A_508, %dma_wait3A_509] : memref<100001x16xf32, #tpu.memory_space<hbm>> -> memref<100001x16xf32, #tpu.memory_space<hbm>>
      tpu.wait_indirect_dma semaphore(%arg11 : memref<!tpu.dma_semaphore, #tpu.memory_space<semaphore_mem>>) src(%dma_wait3A_510 : memref<100001x16xf32, #tpu.memory_space<hbm>>) dst(%dma_wait3A_504 : memref<896x16xf32, #tpu.memory_space<vmem>>)
      %dma_start3A_511 = arith.constant 2 : i32
      %dma_start3A_512 = arith.constant 0 : i32
      %dma_start3A_513 = arith.constant 0 : i32
      %dma_start3A_514 = tpu.memref_slice %arg8[%rem3A_439, %dma_start3A_512, %dma_start3A_513] : memref<2x896x16xf32, #tpu.memory_space<vmem>> -> memref<1x896x16xf32, #tpu.memory_space<vmem>>
      %dma_start3A_515 = tpu.memref_squeeze %dma_start3A_514 : memref<1x896x16xf32, #tpu.memory_space<vmem>> -> memref<896x16xf32, #tpu.memory_space<vmem>>
      %dma_start3A_516 = arith.constant 0 : i32
      %dma_start3A_517 = arith.constant 0 : i32
      %dma_start3A_518 = tpu.memref_slice %arg6[%select_n3A_466, %dma_start3A_511, %sub3A_469, %dma_start3A_516, %dma_start3A_517] : memref<16x3x56x896x16xf32, #tpu.memory_space<hbm>> -> memref<1x1x1x896x16xf32, #tpu.memory_space<hbm>>
      %dma_start3A_519 = tpu.memref_squeeze %dma_start3A_518 : memref<1x1x1x896x16xf32, #tpu.memory_space<hbm>> -> memref<896x16xf32, #tpu.memory_space<hbm>>
      %dma_start3A_520 = arith.constant 0 : i32
      %dma_start3A_521 = arith.constant 0 : i32
      %dma_start3A_522 = tpu.memref_slice %arg6[%select_n3A_466, %dma_start3A_511, %sub3A_469, %dma_start3A_520, %dma_start3A_521] : memref<16x3x56x896x16xf32, #tpu.memory_space<hbm>> -> memref<1x1x1x896x16xf32, #tpu.memory_space<hbm>>
      %dma_start3A_523 = tpu.memref_squeeze %dma_start3A_522 : memref<1x1x1x896x16xf32, #tpu.memory_space<hbm>> -> memref<896x16xf32, #tpu.memory_space<hbm>>
      %dma_start3A_524 = arith.constant 0 : i32
      %dma_start3A_525 = arith.constant 0 : i32
      %dma_start3A_526 = tpu.memref_slice %arg8[%rem3A_439, %dma_start3A_524, %dma_start3A_525] : memref<2x896x16xf32, #tpu.memory_space<vmem>> -> memref<1x896x16xf32, #tpu.memory_space<vmem>>
      %dma_start3A_527 = tpu.memref_squeeze %dma_start3A_526 : memref<1x896x16xf32, #tpu.memory_space<vmem>> -> memref<896x16xf32, #tpu.memory_space<vmem>>
      tpu.enqueue_dma source(%dma_start3A_527 : memref<896x16xf32, #tpu.memory_space<vmem>>) target(%dma_start3A_523 : memref<896x16xf32, #tpu.memory_space<hbm>>) target_semaphore(%arg10 : memref<!tpu.dma_semaphore, #tpu.memory_space<semaphore_mem>>)
    }
    %scan3A_338 = arith.constant 28 : i32
    %mul3A_339 = arith.constant 28 : i32
    %mul3A_340 = arith.muli %add3A, %mul3A_339 : i32
    %add3A_341 = arith.constant 26 : i32
    %add3A_342 = arith.addi %mul3A_340, %add3A_341 : i32
    %jit3A_343 = arith.constant 56 : i32
    %div3A_344 = arith.divsi %add3A_342, %jit3A_343 : i32
    %sign3A_345 = arith.constant 0 : i32
    %sign3A_346 = arith.cmpi sgt, %add3A_342, %sign3A_345 : i32
    %sign3A_347 = arith.extui %sign3A_346 : i1 to i32
    %sign3A_348 = arith.constant 0 : i32
    %sign3A_349 = arith.cmpi slt, %add3A_342, %sign3A_348 : i32
    %sign3A_350 = arith.extui %sign3A_349 : i1 to i32
    %sign3A_351 = arith.subi %sign3A_347, %sign3A_350 : i32
    %sign3A_352 = arith.constant 0 : i32
    %sign3A_353 = arith.cmpi sgt, %jit3A_343, %sign3A_352 : i32
    %sign3A_354 = arith.extui %sign3A_353 : i1 to i32
    %sign3A_355 = arith.constant 0 : i32
    %sign3A_356 = arith.cmpi slt, %jit3A_343, %sign3A_355 : i32
    %sign3A_357 = arith.extui %sign3A_356 : i1 to i32
    %sign3A_358 = arith.subi %sign3A_354, %sign3A_357 : i32
    %ne3A_359 = arith.cmpi ne, %sign3A_351, %sign3A_358 : i32
    %rem3A_360 = arith.remsi %add3A_342, %jit3A_343 : i32
    %ne3A_361 = arith.constant 0 : i32
    %ne3A_362 = arith.cmpi ne, %rem3A_360, %ne3A_361 : i32
    %and3A_363 = arith.andi %ne3A_359, %ne3A_362 : i1
    %sub3A_364 = arith.constant 1 : i32
    %sub3A_365 = arith.subi %div3A_344, %sub3A_364 : i32
    %select_n3A_366 = arith.select %and3A_363, %sub3A_365, %div3A_344 : i32
    %mul3A_367 = arith.constant 56 : i32
    %mul3A_368 = arith.muli %select_n3A_366, %mul3A_367 : i32
    %sub3A_369 = arith.subi %add3A_342, %mul3A_368 : i32
    %dma_wait3A_370 = arith.constant 0 : i32
    %dma_wait3A_371 = arith.constant 2 : i32
    %dma_wait3A_372 = arith.constant 0 : i32
    %dma_wait3A_373 = arith.constant 0 : i32
    %dma_wait3A_374 = tpu.memref_slice %arg8[%dma_wait3A_370, %dma_wait3A_372, %dma_wait3A_373] : memref<2x896x16xf32, #tpu.memory_space<vmem>> -> memref<1x896x16xf32, #tpu.memory_space<vmem>>
    %dma_wait3A_375 = tpu.memref_squeeze %dma_wait3A_374 : memref<1x896x16xf32, #tpu.memory_space<vmem>> -> memref<896x16xf32, #tpu.memory_space<vmem>>
    %dma_wait3A_376 = arith.constant 0 : i32
    %dma_wait3A_377 = arith.constant 0 : i32
    %dma_wait3A_378 = tpu.memref_slice %arg6[%select_n3A_366, %dma_wait3A_371, %sub3A_369, %dma_wait3A_376, %dma_wait3A_377] : memref<16x3x56x896x16xf32, #tpu.memory_space<hbm>> -> memref<1x1x1x896x16xf32, #tpu.memory_space<hbm>>
    %dma_wait3A_379 = tpu.memref_squeeze %dma_wait3A_378 : memref<1x1x1x896x16xf32, #tpu.memory_space<hbm>> -> memref<896x16xf32, #tpu.memory_space<hbm>>
    %dma_wait3A_380 = arith.constant 0 : i32
    %dma_wait3A_381 = arith.constant 0 : i32
    %dma_wait3A_382 = tpu.memref_slice %arg6[%select_n3A_366, %dma_wait3A_371, %sub3A_369, %dma_wait3A_380, %dma_wait3A_381] : memref<16x3x56x896x16xf32, #tpu.memory_space<hbm>> -> memref<1x1x1x896x16xf32, #tpu.memory_space<hbm>>
    %dma_wait3A_383 = tpu.memref_squeeze %dma_wait3A_382 : memref<1x1x1x896x16xf32, #tpu.memory_space<hbm>> -> memref<896x16xf32, #tpu.memory_space<hbm>>
    %dma_wait3A_384 = arith.constant 0 : i32
    %dma_wait3A_385 = arith.constant 0 : i32
    %dma_wait3A_386 = tpu.memref_slice %arg8[%dma_wait3A_370, %dma_wait3A_384, %dma_wait3A_385] : memref<2x896x16xf32, #tpu.memory_space<vmem>> -> memref<1x896x16xf32, #tpu.memory_space<vmem>>
    %dma_wait3A_387 = tpu.memref_squeeze %dma_wait3A_386 : memref<1x896x16xf32, #tpu.memory_space<vmem>> -> memref<896x16xf32, #tpu.memory_space<vmem>>
    tpu.wait_dma2 semaphore(%arg10 : memref<!tpu.dma_semaphore, #tpu.memory_space<semaphore_mem>>) src(%dma_wait3A_387 : memref<896x16xf32, #tpu.memory_space<vmem>>) dst(%dma_wait3A_383 : memref<896x16xf32, #tpu.memory_space<hbm>>)
    %mul3A_388 = arith.constant 28 : i32
    %mul3A_389 = arith.muli %add3A, %mul3A_388 : i32
    %add3A_390 = arith.constant 27 : i32
    %add3A_391 = arith.addi %mul3A_389, %add3A_390 : i32
    %jit3A_392 = arith.constant 56 : i32
    %div3A_393 = arith.divsi %add3A_391, %jit3A_392 : i32
    %sign3A_394 = arith.constant 0 : i32
    %sign3A_395 = arith.cmpi sgt, %add3A_391, %sign3A_394 : i32
    %sign3A_396 = arith.extui %sign3A_395 : i1 to i32
    %sign3A_397 = arith.constant 0 : i32
    %sign3A_398 = arith.cmpi slt, %add3A_391, %sign3A_397 : i32
    %sign3A_399 = arith.extui %sign3A_398 : i1 to i32
    %sign3A_400 = arith.subi %sign3A_396, %sign3A_399 : i32
    %sign3A_401 = arith.constant 0 : i32
    %sign3A_402 = arith.cmpi sgt, %jit3A_392, %sign3A_401 : i32
    %sign3A_403 = arith.extui %sign3A_402 : i1 to i32
    %sign3A_404 = arith.constant 0 : i32
    %sign3A_405 = arith.cmpi slt, %jit3A_392, %sign3A_404 : i32
    %sign3A_406 = arith.extui %sign3A_405 : i1 to i32
    %sign3A_407 = arith.subi %sign3A_403, %sign3A_406 : i32
    %ne3A_408 = arith.cmpi ne, %sign3A_400, %sign3A_407 : i32
    %rem3A_409 = arith.remsi %add3A_391, %jit3A_392 : i32
    %ne3A_410 = arith.constant 0 : i32
    %ne3A_411 = arith.cmpi ne, %rem3A_409, %ne3A_410 : i32
    %and3A_412 = arith.andi %ne3A_408, %ne3A_411 : i1
    %sub3A_413 = arith.constant 1 : i32
    %sub3A_414 = arith.subi %div3A_393, %sub3A_413 : i32
    %select_n3A_415 = arith.select %and3A_412, %sub3A_414, %div3A_393 : i32
    %mul3A_416 = arith.constant 56 : i32
    %mul3A_417 = arith.muli %select_n3A_415, %mul3A_416 : i32
    %sub3A_418 = arith.subi %add3A_391, %mul3A_417 : i32
    %dma_wait3A_419 = arith.constant 1 : i32
    %dma_wait3A_420 = arith.constant 2 : i32
    %dma_wait3A_421 = arith.constant 0 : i32
    %dma_wait3A_422 = arith.constant 0 : i32
    %dma_wait3A_423 = tpu.memref_slice %arg8[%dma_wait3A_419, %dma_wait3A_421, %dma_wait3A_422] : memref<2x896x16xf32, #tpu.memory_space<vmem>> -> memref<1x896x16xf32, #tpu.memory_space<vmem>>
    %dma_wait3A_424 = tpu.memref_squeeze %dma_wait3A_423 : memref<1x896x16xf32, #tpu.memory_space<vmem>> -> memref<896x16xf32, #tpu.memory_space<vmem>>
    %dma_wait3A_425 = arith.constant 0 : i32
    %dma_wait3A_426 = arith.constant 0 : i32
    %dma_wait3A_427 = tpu.memref_slice %arg6[%select_n3A_415, %dma_wait3A_420, %sub3A_418, %dma_wait3A_425, %dma_wait3A_426] : memref<16x3x56x896x16xf32, #tpu.memory_space<hbm>> -> memref<1x1x1x896x16xf32, #tpu.memory_space<hbm>>
    %dma_wait3A_428 = tpu.memref_squeeze %dma_wait3A_427 : memref<1x1x1x896x16xf32, #tpu.memory_space<hbm>> -> memref<896x16xf32, #tpu.memory_space<hbm>>
    %dma_wait3A_429 = arith.constant 0 : i32
    %dma_wait3A_430 = arith.constant 0 : i32
    %dma_wait3A_431 = tpu.memref_slice %arg6[%select_n3A_415, %dma_wait3A_420, %sub3A_418, %dma_wait3A_429, %dma_wait3A_430] : memref<16x3x56x896x16xf32, #tpu.memory_space<hbm>> -> memref<1x1x1x896x16xf32, #tpu.memory_space<hbm>>
    %dma_wait3A_432 = tpu.memref_squeeze %dma_wait3A_431 : memref<1x1x1x896x16xf32, #tpu.memory_space<hbm>> -> memref<896x16xf32, #tpu.memory_space<hbm>>
    %dma_wait3A_433 = arith.constant 0 : i32
    %dma_wait3A_434 = arith.constant 0 : i32
    %dma_wait3A_435 = tpu.memref_slice %arg8[%dma_wait3A_419, %dma_wait3A_433, %dma_wait3A_434] : memref<2x896x16xf32, #tpu.memory_space<vmem>> -> memref<1x896x16xf32, #tpu.memory_space<vmem>>
    %dma_wait3A_436 = tpu.memref_squeeze %dma_wait3A_435 : memref<1x896x16xf32, #tpu.memory_space<vmem>> -> memref<896x16xf32, #tpu.memory_space<vmem>>
    tpu.wait_dma2 semaphore(%arg10 : memref<!tpu.dma_semaphore, #tpu.memory_space<semaphore_mem>>) src(%dma_wait3A_436 : memref<896x16xf32, #tpu.memory_space<vmem>>) dst(%dma_wait3A_432 : memref<896x16xf32, #tpu.memory_space<hbm>>)
    return
  }
}

module attributes {stable_mosaic.version = 14 : i64} {
  func.func @_transpose_body(%arg0: i32, %arg1: i32, %arg2: memref<1x25088x16xf32, #tpu.memory_space<vmem>>, %arg3: memref<1x16x25088xf32, #tpu.memory_space<vmem>>) attributes {dimension_semantics = [#tpu.dimension_semantics<arbitrary>, #tpu.dimension_semantics<arbitrary>], iteration_bounds = array<i64: 48, 2>, scalar_prefetch = 0 : i64, scratch_operands = 0 : i64, tpu.core_type = #tpu.core_type<tc>, window_params = [{transform_indices = @transform_0, window_bounds = array<i64: 1, 25088, 16>}, {transform_indices = @transform_1, window_bounds = array<i64: 1, 16, 25088>}]} {
    %get3A = arith.constant 0 : index
    %get3A_0 = arith.constant 0 : index
    %get3A_1 = arith.constant 0 : index
    %get3A_2 = vector.load %arg2[%get3A, %get3A_0, %get3A_1] : memref<1x25088x16xf32, #tpu.memory_space<vmem>>, vector<1x25088x16xf32>
    %get3A_3 = vector.shape_cast %get3A_2 : vector<1x25088x16xf32> to vector<25088x16xf32>
    %transpose3A = tpu.transpose %get3A_3, [1, 0] : vector<25088x16xf32> -> vector<16x25088xf32>
    %swap3A = arith.constant 0 : index
    %swap3A_4 = arith.constant 0 : index
    %swap3A_5 = arith.constant 0 : index
    %swap3A_6 = vector.load %arg3[%swap3A, %swap3A_4, %swap3A_5] : memref<1x16x25088xf32, #tpu.memory_space<vmem>>, vector<1x16x25088xf32>
    %swap3A_7 = vector.shape_cast %swap3A_6 : vector<1x16x25088xf32> to vector<16x25088xf32>
    %swap3A_8 = vector.shape_cast %transpose3A : vector<16x25088xf32> to vector<1x16x25088xf32>
    tpu.vector_store %arg3[%swap3A, %swap3A_4, %swap3A_5], %swap3A_8 {strides = array<i32>} : memref<1x16x25088xf32, #tpu.memory_space<vmem>>, vector<1x16x25088xf32>,
    return
  }
  func.func @transform_0(%arg0: i32, %arg1: i32) -> (i32, i32, i32) {
    %c0_i32 = arith.constant 0 : i32
    %c0_i32_0 = arith.constant 0 : i32
    return %arg0, %arg1, %c0_i32 : i32, i32, i32
  }
  func.func @transform_1(%arg0: i32, %arg1: i32) -> (i32, i32, i32) {
    %c0_i32 = arith.constant 0 : i32
    %c0_i32_0 = arith.constant 0 : i32
    return %arg0, %c0_i32, %arg1 : i32, i32, i32
  }
}

</mosaic_0001>

<sc_bundles>
// kernel: kernel.4.cloned.1.call-start
scs
__scs_entry_jumppad:
0x0: {  	(pc) =	sbr.rel $0x88, $3  }
0x1: {  	(tag) =	ssettag $0x0;
	lr =	simm.s32 $0x1  }
0x2: {  	[smem:$0x3F9D] =	sst lr;
	_ =	strace $0xD0000000  }
0x3: {  	_ = 	snop  }
0x4: {  	_ = 	snop  }
0x5: {  	_ = 	snop  }
0x6: {  	_ = 	snop  }
0x7: {  	_ = 	snop  }
__scs_overlays_trampoline_lowered:
0x8: {  	[smem:$0x3FAC] =	sst s0  }
0x9: {  	[smem:$0x3FAD] =	sst s1  }
0xa: {  	[smem:$0x3FAE] =	sst s2  }
0xb: {  	[smem:$0x3FAF] =	sst s3  }
0xc: {  	[smem:$0x3FB0] =	sst s4  }
0xd: {  	[smem:$0x3FB1] =	sst s5  }
0xe: {  	[smem:$0x3FB2] =	sst s6  }
0xf: {  	[smem:$0x3FB3] =	sst s7  }
0x10: {  	[smem:$0x3FB4] =	sst s8  }
0x11: {  	[smem:$0x3FB5] =	sst s9;
	s0 =	simm.s32 @!p0 $0x0  }
0x12: {  	s1 =	sld [smem:$0x3F9B];
	s0 =	simm.s32 @p0 $0x1  }
0x13: {  	[smem:$0x3FB6] =	sst s0;
	s0 =	simm.s32 @!p1 $0x0  }
0x14: {  	s2 =	sld [smem:$0x3F9A];
	s0 =	simm.s32 @p1 $0x1  }
0x15: {  	[smem:$0x3FB7] =	sst s0;
	s0 =	simm.s32 @!p2 $0x0  }
0x16: {  	s3 =	sld [smem:$0x3FDB];
	s0 =	simm.s32 @p2 $0x1  }
0x17: {  	s4 =	simm.s32 $0x1BF5;
	[smem:$0x3FB9] =	sst s0  }
0x18: {  	s0 =	sld [smem:$0x3F9C];
	_ =	swait.ge [sflag:s4], $0x0  }
0x19: {  	s7 =	sld [smem:$0x3F9D]  }
0x1a: {  	s8 =	sadd.s32 $0xFFFFE003, lr  }
0x1b: {  	s9 =	sadd.s32 $0xFFFFFEF7, lr;
	s5 =	simm.s32 $0xFFFFFFFF;
	p2 =	slt.u32 s8, $0xFFFFF086  }
0x1c: {  	p1 =	slt.u32 s9, $0xF7A;
	s5 =	simm.s32 @!p2 $0x0  }
0x1d: {  	s5 =	simm.s32 @p1 $0x1;
	p0 =	seq.s32 s7, s2  }
0x1e: {  	s7 =	smul.u32 @!p0 $0xF7A, s2;
	p2 =	seq.s32 @!p0 s5, $0x0  }
0x1f: {  	s9 =	smul.u32 $0xF7A, s1;
	s8 =	simm.s32 @!p0 $0x1BF5;
	p2 =	por !p2, p0  }
0x20: {  	[sflag:s8] =	ssyncset.s32 @!p0 $0xFFFFF086;
	s6 =	sadd.s32 @!p0 s3, s7;
	s7 =	simm.s32 @!p0 $0x108  }
0x21: {  	s3 =	sadd.s32 s3, s9;
	s6 =	sadd.s32 @!p0 $0x88, s6;
	s7 =	simm.s32 @p2 $0x1082  }
0x22: {  	[simem:s7], [sflag:s8] =	dma.local @!p0 [hbm:s6], $0xF7A  }
0x23: {  	s9 =	sor.u32 $0xD0000000, s2;
	s6 =	simm.s32 $0x108;
	_ =	swait.ge @!p0 [sflag:s8], $0x0  }
0x24: {  	s3 =	sadd.s32 $0x88, s3;
	s6 =	simm.s32 @!p1 $0x1082;
	[sflag:s4] =	ssyncset.s32 $0xFFFFF086  }
0x25: {  	[simem:s6], [sflag:s4] =	dma.local [hbm:s3], $0xF7A  }
0x26: {  	[smem:$0x3F9D] =	sst s1;
	(tag) =	ssettag s2;
	_ =	strace s9  }
0x27: {  	s1 =	sld [smem:$0x3FAD]  }
0x28: {  	s2 =	sld [smem:$0x3FAE]  }
0x29: {  	s4 =	sld [smem:$0x3FB0]  }
0x2a: {  	p0 =	seq.s32 s5, $0x0;
	s5 =	sld [smem:$0x3FB1]  }
0x2b: {  	s6 =	sld [smem:$0x3FB2]  }
0x2c: {  	s7 =	sld [smem:$0x3FB3]  }
0x2d: {  	s3 =	simm.s32 $0x108;
	s8 =	sld [smem:$0x3FB4]  }
0x2e: {  	s3 =	simm.s32 @!p0 $0x1082;
	s9 =	sld [smem:$0x3FB5]  }
0x2f: {  	lr =	sadd.s32 s0, s3;
	s0 =	sld [smem:$0x3FAC]  }
0x30: {  	s3 =	sld [smem:$0x3FAF]  }
0x31: {  	[smem:$0x3FB8] =	sst s10  }
0x32: {  	s10 =	sld [smem:$0x3FB6];
	_ =	sdelay $0x3  }
0x33: {  	p0 =	seq.s32 s10, $0x1;
	s10 =	sld [smem:$0x3FB8];
	_ =	sdelay $0x3  }
0x34: {  	[smem:$0x3FB8] =	sst s10  }
0x35: {  	s10 =	sld [smem:$0x3FB7];
	_ =	sdelay $0x3  }
0x36: {  	p1 =	seq.s32 s10, $0x1;
	s10 =	sld [smem:$0x3FB8];
	_ =	sdelay $0x3  }
0x37: {  	[smem:$0x3FB8] =	sst s10  }
0x38: {  	s10 =	sld [smem:$0x3FB9]  }
0x39: {  	_ = 	snop;
	(pc) =	sbr.ind lr, $3  }
0x3a: {  	_ = 	snop  }
0x3b: {  	_ = 	snop  }
0x3c: {  	p2 =	seq.s32 s10, $0x1;
	s10 =	sld [smem:$0x3FB8]  }
0x3d: {  	_ =	shalt  }
0x3e: {  	_ =	shalt  }
0x3f: {  	_ =	shalt  }
0x40: {  	_ =	shalt  }
0x41: {  	_ =	shalt  }
0x42: {  	_ =	shalt  }
0x43: {  	_ =	shalt  }
0x44: {  	_ =	shalt  }
0x45: {  	_ =	shalt  }
0x46: {  	_ =	shalt  }
0x47: {  	_ =	shalt  }
0x48: {  	_ =	shalt  }
0x49: {  	_ =	shalt  }
0x4a: {  	_ =	shalt  }
0x4b: {  	_ =	shalt  }
0x4c: {  	_ =	shalt  }
0x4d: {  	_ =	shalt  }
0x4e: {  	_ =	shalt  }
0x4f: {  	_ =	shalt  }
0x50: {  	_ =	shalt  }
0x51: {  	_ =	shalt  }
0x52: {  	_ =	shalt  }
0x53: {  	_ =	shalt  }
0x54: {  	_ =	shalt  }
0x55: {  	_ =	shalt  }
0x56: {  	_ =	shalt  }
0x57: {  	_ =	shalt  }
0x58: {  	_ =	shalt  }
0x59: {  	_ =	shalt  }
0x5a: {  	_ =	shalt  }
0x5b: {  	_ =	shalt  }
0x5c: {  	_ =	shalt  }
0x5d: {  	_ =	shalt  }
0x5e: {  	_ =	shalt  }
0x5f: {  	_ =	shalt  }
0x60: {  	_ =	shalt  }
0x61: {  	_ =	shalt  }
0x62: {  	_ =	shalt  }
0x63: {  	_ =	shalt  }
0x64: {  	_ =	shalt  }
0x65: {  	_ =	shalt  }
0x66: {  	_ =	shalt  }
0x67: {  	_ =	shalt  }
0x68: {  	_ =	shalt  }
0x69: {  	_ =	shalt  }
0x6a: {  	_ =	shalt  }
0x6b: {  	_ =	shalt  }
0x6c: {  	_ =	shalt  }
0x6d: {  	_ =	shalt  }
0x6e: {  	_ =	shalt  }
0x6f: {  	_ =	shalt  }
0x70: {  	_ =	shalt  }
0x71: {  	_ =	shalt  }
0x72: {  	_ =	shalt  }
0x73: {  	_ =	shalt  }
0x74: {  	_ =	shalt  }
0x75: {  	_ =	shalt  }
0x76: {  	_ =	shalt  }
0x77: {  	_ =	shalt  }
0x78: {  	_ =	shalt  }
0x79: {  	_ =	shalt  }
0x7a: {  	_ =	shalt  }
0x7b: {  	_ =	shalt  }
0x7c: {  	_ =	shalt  }
0x7d: {  	_ =	shalt  }
0x7e: {  	_ =	shalt  }
0x7f: {  	_ =	shalt  }
0x80: {  	_ =	shalt  }
0x81: {  	_ =	shalt  }
0x82: {  	_ =	shalt  }
0x83: {  	_ =	shalt  }
0x84: {  	_ =	shalt  }
0x85: {  	_ =	shalt  }
0x86: {  	_ =	shalt  }
0x87: {  	_ =	shalt  }
.Lfunc_end0:
.L_simem_size_0:
called_computation_lowered:
.L_overlay_start_0:
0x88: {  	s2 =	sld [smem:$0x3FD9]  }
0x89: {  	s3 =	sld [smem:$0x3FFE];
	_ =	sdelay $0x1  }
0x8a: {  	s1 =	srdreg.scid  }
0x8b: {  	s0 =	sand.u32 $0x1, s1  }
0x8c: {  	s17 =	sshll.u32 s0, $0xA;
	s2 =	sadd.s32 s3, s2  }
0x8d: {  	s2 =	sadd.s32 s2, s17  }
0x8e: {  	[smem:$0x3FC4] =	sst s2  }
0x8f: {  	_ = 	snop  }
0x90: {  	s2 =	sld [smem:$0x3FD0];
	(tm) =	ssettm $0x1  }
0x91: {  	s18 =	sld [smem:$0x3FFB];
	_ =	sdelay $0x3  }
0x92: {  	_ =	strace s18  }
0x93: {  	s3 =	sld [smem:$0x3FFC];
	_ =	sdelay $0x3  }
0x94: {  	_ =	strace s3  }
0x95: {  	s3 =	sld [smem:$0x3FFD];
	_ =	sdelay $0x3  }
0x96: {  	_ =	strace s3  }
0x97: {  	_ =	strace $0x8FFFFFFF  }
0x98: {  	s19 =	sld [smem:$0x3FDB];
	_ =	sdelay $0x1  }
0x99: {  	s4 =	simm.s32 $_scs_section_size  }
0x9a: {  	s5 =	simm.s32 $_size__tile_overlayer_lowered;
	s6 =	simm.s32 $_tile_overlayer_lowered  }
0x9b: {  	s22 =	simm.s32 $0x1BFF;
	s21 =	sshll.u32 s6, $0x1;
	s3 =	sadd.s32 s4, s19  }
0x9c: {  	s7 =	simm.s32 $0x0;
	s20 =	sshll.u32 s5, $0x1;
	s5 =	sadd.s32 s21, s3  }
0x9d: {  	[timem:s7], [sflag:s22] =	dma.local [hbm:s5], s20  }
0x9e: {  	_ =	swait.ge [sflag:s22], s20  }
0x9f: {  	s4 =	ssub.s32 $0x0, s20;
	[sflag:s22] =	ssyncset.done $0x0  }
0xa0: {  	[sflag:s22] =	ssyncadd.s32 s4;
	_ =	sdelay $0x1  }
0xa1: {  	s23 =	simm.s32 $0x1B8B  }
0xa2: {  	_ =	swait.ge [sflag:s23], $0x1  }
0xa3: {  	[sflag:s23] =	ssyncset.done $0x0  }
0xa4: {  	s25 =	simm.s32 $0x1B8E;
	s24 =	sld [smem:$0x3FFE];
	[sflag:s23] =	ssyncadd.s32 $0xFFFFFFFF  }
0xa5: {  	s26 =	simm.s32 $execute0_lowered;
	[smem:$0x3FD2] =	sst s25  }
0xa6: {  	s5 =	sshll.u32 s26, $0x1;
	_ =	strace $0x80000046;
	[dreg:$0x1] =	wrdreg $0xFFFFFFFF  }
0xa7: {  	s28 =	simm.s32 $_size_execute0_lowered;
	s3 =	sadd.s32 s3, s5;
	[dreg:$0x0] =	wrdreg $0x0  }
0xa8: {  	s5 =	sshll.u32 s28, $0x1;
	[dreg:$0x2] =	wrdreg s3  }
0xa9: {  	[dreg:$0x3] =	wrdreg s5  }
0xaa: {  	[dreg:$0x4] =	wrdreg $0xC0  }
0xab: {  	_ =	task [dreg:s7], $0x5FFFF  }
0xac: {  	[dreg:$0x1] =	wrdreg $0xFFFFFFFF  }
0xad: {  	[dreg:$0x0] =	wrdreg $0x60  }
0xae: {  	[dreg:$0x2] =	wrdreg s24  }
0xaf: {  	[dreg:$0x3] =	wrdreg s2  }
0xb0: {  	[dreg:$0x4] =	wrdreg $0x9  }
0xb1: {  	_ =	task.clear_ibuf [dreg:s7], $0x5FFFF;
	_ =	strace $0x90000046  }
0xb2: {  	s29 =	simm.s32 $0x9;
	_ =	strace $0x80000048  }
0xb3: {  	_ =	swait.ge [sflag:s29], $0x1  }
0xb4: {  	[sflag:s29] =	ssyncadd.s32 $0xFFFFFFFF  }
0xb5: {  	_ =	strace $0x90000048  }
0xb6: {  	_ =	sfence  }
0xb7: {  	s30 =	sld [smem:$0x0];
	_ =	sdelay $0x2  }
0xb8: {  	s31 =	sshll.u32 s1, $0xD;
	s1 =	sshrl.u32 s1, $0x2  }
0xb9: {  	s3 =	sand.u32 $0x4000, s31;
	s1 =	sadd.s32 s1, s30  }
0xba: {  	s0 =	sor.u32 s3, s0;
	s1 =	sshll.u32 s1, $0x11  }
0xbb: {  	s0 =	sor.u32 s1, s0  }
0xbc: {  	s0 =	sadd.s32 $0x8F2B, s0  }
0xbd: {  	[sflag:s0] =	ssyncadd.remote.s32 $0x1  }
0xbe: {  	_ =	sfence.sel $0xFFFF  }
0xbf: {  	[dreg:$0x0] =	wrdreg $0xFFFFFFFF;
	(pc) =	sbr.abs _section_cstart, $3  }
0xc0: {  	[dreg:$0x1] =	wrdreg $0xFFFFFFFF  }
0xc1: {  	_ =	task.clear_ibuf [dreg:s7], $0x2FFFF;
	_ =	strace $0x9FFFFFFF  }
0xc2: {  	(tm) =	ssettm $0x7FFFFFFF  }
0xc3: {  	_ =	shalt  }
tec
execute0_lowered:
.L_overlay_start_1:
0x0: {  	(tag) =	ssettag $0x1  }
0x1: {  	s0 =	stileid.u32  }
0x2: {  	s1 =	srdreg.scid;
	s8 =	smul.u32 $0xFFFFFFC8, s0  }
0x3: {  	s7 =	rddreg [dreg:$0x0];
	s9 =	smul.u32 $0x24C00, s0  }
0x4: {  	s2 =	rddreg [dreg:$0x1];
	s3 =	simm.s32 $0x0;
	s13 =	smul.u32 $0x38, s0  }
0x5: {  	s20 =	simm.s32 $0x1;
	s21 =	simm.s32 $0x2;
	s15 =	smul.u32 $0xC4000, s0  }
0x6: {  	s22 =	simm.s32 $0x380;
	s11 =	sand.u32 $0x1, s1;
	s17 =	smul.u32 $0xC400, s0  }
0x7: {  	s23 =	simm.s32 $0x3;
	s28 =	sshll.u32 s0, $0x1;
	s14 =	smul.u32 $0x1C, s11  }
0x8: {  	s24 =	simm.s32 $0x0;
	s4 =	sor.u32 s11, s28;
	s16 =	smul.u32 $0x62000, s11  }
0x9: {  	[smem:$0x7FF] =	sst s3;
	s5 =	sadd.s32 $0x4B400, s7;
	s6 =	smul.u32 $0x1C, s4  }
0xa: {  	_ =	strace $0x80000047;
	s10 =	ssub.s32 $0x2, s11;
	s19 =	smul.u32 $0x6200, s11  }
0xb: {  	s4 =	sadd.s32 $0x1C00, s7;
	s12 =	sshrl.u32 s10, $0x1;
	s8 =	sadd.s32 s8, s6  }
0xc: {  	s12 =	ssub.s32 s10, s12;
	s15 =	sadd.s32 s16, s15;
	s8 =	smul.u32 $0x380, s8  }
0xd: {  	s31 =	sadd.s32 s19, s17;
	s6 =	sadd.s32 $0x7C200, s7;
	s7 =	sadd.s32 $0xAD000, s7  }
0xe: {  	s12 =	smax.u32 s12, $0x1;
	s16 =	sadd.s32 $0xC780, s31;
	s29 =	sadd.s32 s9, s8  }
0xf: {  	s17 =	sadd.s32 $0xC4000, s15;
	s19 =	sadd.s32 $0x188000, s15;
	s8 =	sshrl.u32 s29, $0x3  }
0x10: {  	s9 =	sadd.s32 $0xC400, s29;
	s10 =	sadd.s32 $0x18800, s29;
	s30 =	sadd.s32 s4, s8  }
0x11: {  	s9 =	sshrl.u32 s9, $0x3;
	s18 =	sshrl.u32 s10, $0x3;
	s10 =	sadd.s32 s14, s13  }
0x12: {  	[dreg:$0x3] =	wrdreg s30;
	s9 =	sadd.s32 s4, s9;
	s13 =	sor.u32 $0x1, s10  }
0x13: {  	s11 =	sadd.s32 s4, s18;
	s18 =	sadd.s32 $0x18B80, s31;
	s14 =	smul.u32 $0x380, s13  }
.LBB2_1:
0x14: {  	s0 =	rddreg [dreg:$0x3];
	s25 =	smov.u32 s10;
	s26 =	smov.u32 s15  }
0x15: {  	[tilespmem:s3], [sflag:$0x1] =	stream.linear.gather [hbm4b:s0+s3], $0x380, $0x38;
	[tilespmem:$0x7700] =	vst v63  }
0x16: {  	s28 =	smov.u32 s13;
	s30 =	simm.s32 $0x0;
	s29 =	smov.u32 s14  }
.LBB2_2:
0x17: {  	s31 =	sshrl.u32 s28, $0x3  }
0x18: {  	s31 =	smulhi.u32 $0x24924925, s31;
	_ =	sdelay $0x1  }
0x19: {  	p0 =	seq.s32 s30, $0x1B;
	s1 =	smul.u32 $0x18800, s31;
	s31 =	sand.u32 $0x1, s30  }
0x1a: {  	_ =	swait.ge [sflag:s20], $0x380;
	s0 =	sxor.u32 @!p0 $0x1, s31  }
0x1b: {  	[sflag:s20] =	ssyncset.done $0x0;
	s1 =	sadd.s32 s1, s29;
	s0 =	smul.u32 @!p0 $0xE00, s0  }
0x1c: {  	s8 =	simm.s32 @!p0 $0x0;
	p1 =	slt.u32 @!p0 s30, $0x2;
	s1 =	sshrl.u32 @!p0 s1, $0x3  }
0x1d: {  	[sflag:s20] =	ssyncadd.s32 $0xFFFFFC80;
	s0 =	sshrl.u32 @!p0 s0, $0x2;
	s1 =	sadd.s32 @!p0 s4, s1  }
0x1e: {  	[tilespmem:s0], [sflag:$0x1] =	stream.linear.gather @!p0 [hbm4b:s1+s8], $0x380, $0x38;
	[tilespmem:$0x7700] =	vst v63  }
0x1f: {  	p0 =	por p0, !p1;
	s8 =	smul.u32 $0xE000, s31  }
0x20: {  	s1 =	sshrl.u32 s25, $0x3;
	s31 =	smul.u32 $0xE00, s31;
	_ =	swait.ge @p0 [sflag:s21], $0x3800  }
0x21: {  	s30 =	sadd.s32 $0x1, s30;
	s0 =	smulhi.u32 $0x24924925, s1;
	[sflag:s21] =	ssyncset.done @p0 $0x0  }
0x22: {  	s1 =	sshrl.u32 s8, $0x2;
	s8 =	sshrl.u32 s31, $0x2;
	[sflag:s21] =	ssyncadd.s32 @p0 $0xFFFFC800  }
0x23: {  	s0 =	smul.u32 $0x188000, s0;
	s1 =	sor.u32 $0x700, s1;
	p0 =	sne.s32 s30, $0x1C  }
0x24: {  	[tilespmem:s1], [sflag:$0x3] =	stream.indirect.gather [hbm4b:s5+s22], $0x10, s8, s22, $0xb8;
	[tilespmem:$0x7700] =	vst v63  }
.Ltmp0:
0x25: {  	s28 =	sadd.s32 $0x1, s28;
	(pc) =	sbr.rel @p0 .LBB2_2-.Ltmp0, $4  }
0x26: {  	s29 =	sadd.s32 $0x380, s29;
	s0 =	sadd.s32 s0, s26;
	_ =	swait.ge [sflag:s23], $0x3800  }
0x27: {  	s25 =	sadd.s32 $0x1, s25;
	[sflag:s23] =	ssyncset.done $0x0;
	s0 =	sshrl.u32 s0, $0x3  }
0x28: {  	s26 =	sadd.s32 $0x3800, s26;
	[sflag:s23] =	ssyncadd.s32 $0xFFFFC800;
	s0 =	sadd.s32 s2, s0  }
0x29: {  	[hbm4b:s0+s3] =	stream.linear.scatter [tilespmem:s1], [sflag:$0x2], $0x3800, $0x38;
	[tilespmem:$0x7700] =	vst v63  }
0x2a: {  	_ =	swait.ge [sflag:s21], $0x3800  }
0x2b: {  	[sflag:s21] =	ssyncset.done $0x0  }
0x2c: {  	[sflag:s21] =	ssyncadd.s32 $0xFFFFC800  }
0x2d: {  	s25 =	simm.s32 $0x0;
	_ =	swait.ge [sflag:s21], $0x3800  }
0x2e: {  	s26 =	smov.u32 s10;
	s28 =	smov.u32 s17;
	[sflag:s21] =	ssyncset.done $0x0  }
0x2f: {  	s29 =	smov.u32 s13;
	s30 =	smov.u32 s16;
	[sflag:s21] =	ssyncadd.s32 $0xFFFFC800  }
0x30: {  	[tilespmem:s25], [sflag:$0x1] =	stream.linear.gather [hbm4b:s9+s25], $0x380, $0x38;
	[tilespmem:$0x7700] =	vst v63  }
.LBB2_4:
0x31: {  	s0 =	sshrl.u32 s29, $0x3  }
0x32: {  	s0 =	smulhi.u32 $0x24924925, s0;
	_ =	sdelay $0x1  }
0x33: {  	s31 =	sand.u32 $0x1, s25;
	p0 =	seq.s32 s25, $0x1B;
	s0 =	smul.u32 $0x18800, s0  }
0x34: {  	_ =	swait.ge [sflag:s20], $0x380;
	s1 =	sxor.u32 @!p0 $0x1, s31  }
0x35: {  	[sflag:s20] =	ssyncset.done $0x0;
	s1 =	smul.u32 @!p0 $0xE00, s1;
	s0 =	sadd.s32 s0, s30  }
0x36: {  	s8 =	simm.s32 @!p0 $0x0;
	p1 =	slt.u32 @!p0 s25, $0x2;
	s0 =	sshrl.u32 @!p0 s0, $0x3  }
0x37: {  	[sflag:s20] =	ssyncadd.s32 $0xFFFFFC80;
	s1 =	sshrl.u32 @!p0 s1, $0x2;
	s0 =	sadd.s32 @!p0 s4, s0  }
0x38: {  	[tilespmem:s1], [sflag:$0x1] =	stream.linear.gather @!p0 [hbm4b:s0+s8], $0x380, $0x38;
	[tilespmem:$0x7700] =	vst v63  }
0x39: {  	p0 =	por p0, !p1;
	s8 =	smul.u32 $0xE000, s31  }
0x3a: {  	s1 =	sshrl.u32 s26, $0x3;
	s31 =	smul.u32 $0xE00, s31;
	_ =	swait.ge @p0 [sflag:s21], $0x3800  }
0x3b: {  	s25 =	sadd.s32 $0x1, s25;
	s0 =	smulhi.u32 $0x24924925, s1;
	[sflag:s21] =	ssyncset.done @p0 $0x0  }
0x3c: {  	s1 =	sshrl.u32 s8, $0x2;
	s8 =	sshrl.u32 s31, $0x2;
	[sflag:s21] =	ssyncadd.s32 @p0 $0xFFFFC800  }
0x3d: {  	s0 =	smul.u32 $0x188000, s0;
	s1 =	sor.u32 $0x700, s1;
	p0 =	sne.s32 s25, $0x1C  }
0x3e: {  	[tilespmem:s1], [sflag:$0x3] =	stream.indirect.gather [hbm4b:s6+s22], $0x10, s8, s22, $0xb8;
	[tilespmem:$0x7700] =	vst v63  }
.Ltmp1:
0x3f: {  	s29 =	sadd.s32 $0x1, s29;
	(pc) =	sbr.rel @p0 .LBB2_4-.Ltmp1, $4  }
0x40: {  	s30 =	sadd.s32 $0x380, s30;
	s0 =	sadd.s32 s0, s28;
	_ =	swait.ge [sflag:s23], $0x3800  }
0x41: {  	s26 =	sadd.s32 $0x1, s26;
	[sflag:s23] =	ssyncset.done $0x0;
	s0 =	sshrl.u32 s0, $0x3  }
0x42: {  	s28 =	sadd.s32 $0x3800, s28;
	[sflag:s23] =	ssyncadd.s32 $0xFFFFC800;
	s0 =	sadd.s32 s2, s0  }
0x43: {  	[hbm4b:s0+s3] =	stream.linear.scatter [tilespmem:s1], [sflag:$0x2], $0x3800, $0x38;
	[tilespmem:$0x7700] =	vst v63  }
0x44: {  	_ =	swait.ge [sflag:s21], $0x3800  }
0x45: {  	[sflag:s21] =	ssyncset.done $0x0  }
0x46: {  	[sflag:s21] =	ssyncadd.s32 $0xFFFFC800  }
0x47: {  	s25 =	simm.s32 $0x0;
	_ =	swait.ge [sflag:s21], $0x3800  }
0x48: {  	s26 =	smov.u32 s10;
	s28 =	smov.u32 s19;
	[sflag:s21] =	ssyncset.done $0x0  }
0x49: {  	s29 =	smov.u32 s13;
	s30 =	smov.u32 s18;
	[sflag:s21] =	ssyncadd.s32 $0xFFFFC800  }
0x4a: {  	[tilespmem:s25], [sflag:$0x1] =	stream.linear.gather [hbm4b:s11+s25], $0x380, $0x38;
	[tilespmem:$0x7700] =	vst v63  }
.LBB2_6:
0x4b: {  	s0 =	sshrl.u32 s29, $0x3  }
0x4c: {  	s0 =	smulhi.u32 $0x24924925, s0;
	_ =	sdelay $0x1  }
0x4d: {  	s31 =	sand.u32 $0x1, s25;
	p0 =	seq.s32 s25, $0x1B;
	s0 =	smul.u32 $0x18800, s0  }
0x4e: {  	_ =	swait.ge [sflag:s20], $0x380;
	s1 =	sxor.u32 @!p0 $0x1, s31  }
0x4f: {  	[sflag:s20] =	ssyncset.done $0x0;
	s1 =	smul.u32 @!p0 $0xE00, s1;
	s0 =	sadd.s32 s0, s30  }
0x50: {  	s8 =	simm.s32 @!p0 $0x0;
	p1 =	slt.u32 @!p0 s25, $0x2;
	s0 =	sshrl.u32 @!p0 s0, $0x3  }
0x51: {  	[sflag:s20] =	ssyncadd.s32 $0xFFFFFC80;
	s1 =	sshrl.u32 @!p0 s1, $0x2;
	s0 =	sadd.s32 @!p0 s4, s0  }
0x52: {  	[tilespmem:s1], [sflag:$0x1] =	stream.linear.gather @!p0 [hbm4b:s0+s8], $0x380, $0x38;
	[tilespmem:$0x7700] =	vst v63  }
0x53: {  	p0 =	por p0, !p1;
	s8 =	smul.u32 $0xE000, s31  }
0x54: {  	s1 =	sshrl.u32 s26, $0x3;
	s31 =	smul.u32 $0xE00, s31;
	_ =	swait.ge @p0 [sflag:s21], $0x3800  }
0x55: {  	s25 =	sadd.s32 $0x1, s25;
	s0 =	smulhi.u32 $0x24924925, s1;
	[sflag:s21] =	ssyncset.done @p0 $0x0  }
0x56: {  	s1 =	sshrl.u32 s8, $0x2;
	s8 =	sshrl.u32 s31, $0x2;
	[sflag:s21] =	ssyncadd.s32 @p0 $0xFFFFC800  }
0x57: {  	s0 =	smul.u32 $0x188000, s0;
	s1 =	sor.u32 $0x700, s1;
	p0 =	sne.s32 s25, $0x1C  }
0x58: {  	[tilespmem:s1], [sflag:$0x3] =	stream.indirect.gather [hbm4b:s7+s22], $0x10, s8, s22, $0xb8;
	[tilespmem:$0x7700] =	vst v63  }
.Ltmp2:
0x59: {  	s29 =	sadd.s32 $0x1, s29;
	(pc) =	sbr.rel @p0 .LBB2_6-.Ltmp2, $4  }
0x5a: {  	s30 =	sadd.s32 $0x380, s30;
	s0 =	sadd.s32 s0, s28;
	_ =	swait.ge [sflag:s23], $0x3800  }
0x5b: {  	s26 =	sadd.s32 $0x1, s26;
	[sflag:s23] =	ssyncset.done $0x0;
	s0 =	sshrl.u32 s0, $0x3  }
0x5c: {  	s28 =	sadd.s32 $0x3800, s28;
	[sflag:s23] =	ssyncadd.s32 $0xFFFFC800;
	s0 =	sadd.s32 s2, s0  }
0x5d: {  	[hbm4b:s0+s3] =	stream.linear.scatter [tilespmem:s1], [sflag:$0x2], $0x3800, $0x38;
	[tilespmem:$0x7700] =	vst v63  }
0x5e: {  	s24 =	sadd.s32 $0x1, s24  }
0x5f: {  	_ =	swait.ge [sflag:s21], $0x3800;
	p0 =	sne.s32 s24, s12  }
.Ltmp3:
0x60: {  	[sflag:s21] =	ssyncset.done $0x0;
	(pc) =	sbr.rel @p0 .LBB2_1-.Ltmp3, $4  }
0x61: {  	[sflag:s21] =	ssyncadd.s32 $0xFFFFC800  }
0x62: {  	_ =	swait.ge [sflag:s21], $0x3800  }
0x63: {  	[sflag:s21] =	ssyncset.done $0x0  }
0x64: {  	[sflag:s21] =	ssyncadd.s32 $0xFFFFC800  }
0x65: {  	_ =	sfence.sel $0x180000  }
0x66: {  	[bflag:$0x0] =	sbarrier.arrive $0xFFFF  }
0x67: {  	_ =	strace $0x90000047  }
0x68: {  	s0 =	stileid.u32;
	[bflag:$0x2] =	sbarrier.arrive $0xFFFF  }
0x69: {  	p0 =	sne.s32 s0, $0x0;
	s0 =	rddreg [dreg:$0x2]  }
0x6a: {  	s0 =	sadd.s32 @!p0 $0x100000, s0  }
0x6b: {  	[sflag:s0] =	ssyncadd.tile.s32 @!p0 $0x1;
	_ =	shalt  }
.Lfunc_end2:
_tile_overlayer_lowered:
.L_overlay_start_2:
0x6c: {  	(tag) =	ssettag $0x2  }
0x6d: {  	s0 =	rddreg [dreg:$0x0];
	s2 =	stileid.u32  }
0x6e: {  	s1 =	rddreg [dreg:$0x1];
	p0 =	sne.s32 s2, $0x0  }
0x6f: {  	s3 =	rddreg [dreg:$0x2];
	[bflag:$0x3] =	sbarrier.arrive $0xFFFF;
	s2 =	simm.s32 @!p0 $0x1C04  }
0x70: {  	[timem:s3], [sflag:s2] =	dma.local @!p0 [hbm:s0], s1  }
0x71: {  	s0 =	simm.s32 @!p0 $0x4  }
0x72: {  	_ =	swait.ge @!p0 [sflag:s0], s1  }
0x73: {  	s1 =	ssub.s32 @!p0 $0x0, s1;
	[sflag:s0] =	ssyncset.done @!p0 $0x0  }
0x74: {  	[sflag:s0] =	ssyncadd.s32 @!p0 s1  }
0x75: {  	[bflag:$0x3] =	sbarrier.arrive $0xFFFF  }
0x76: {  	_ =	shalt  }

</sc_bundles>
